<compile_context>
chip_gen: v7x
topology: tpu7x:2x2x1
jax: 0.10.2.dev20260603
libtpu: 0.0.44.dev20260713+nightly
codegen_flags: <defaults>
</compile_context>

<pallas_src>
import functools

import jax
import jax.numpy as jnp
from jax import lax
from jax.experimental import pallas as pl
from jax.experimental.pallas import tpu as pltpu
from jax.experimental.pallas import tpu_sc as plsc

NC, NS, L = 2, 16, 16
NW = NC * NS


def _bracket_sc(u1w, u2w, p3, coef, segpack, D, BC, NP, S):
    T = BC // L
    SEGN = segpack.shape[0]
    FD = ((D + 2 * L - 1) // L) * L
    mesh = plsc.VectorSubcoreMesh(
        core_axis_name="c", subcore_axis_name="s",
        num_cores=NC, num_subcores=NS)

    @functools.partial(
        pl.kernel,
        out_type=jax.ShapeDtypeStruct((NW, D * BC), jnp.float32),
        mesh=mesh,
        compiler_params=pltpu.CompilerParams(needs_layout_passes=False),
        scratch_types=[
            pltpu.VMEM((D * BC // 2,), jnp.int32),
            pltpu.VMEM((D * BC // 2,), jnp.int32),
            pltpu.VMEM((D * BC,), jnp.float32),
            pltpu.VMEM((FD,), jnp.float32),
            pltpu.VMEM((NP,), jnp.int32),
            pltpu.VMEM((NP,), jnp.float32),
            pltpu.VMEM((S,), jnp.int32),
            pltpu.VMEM((S,), jnp.float32),
            pltpu.VMEM((SEGN,), jnp.int32),
        ],
    )
    def sc_kernel(u1_hbm, u2_hbm, p_hbm, c_hbm, seg_hbm, out_hbm,
                  u1_v, u2_v, o_v, f_v, p_v, c_v, pp_v, cp_v, seg_v):
        wid = lax.axis_index("s") * NC + lax.axis_index("c")
        pltpu.sync_copy(u1_hbm.at[wid], u1_v)
        pltpu.sync_copy(u2_hbm.at[wid], u2_v)
        pltpu.sync_copy(p_hbm, p_v)
        pltpu.sync_copy(c_hbm, c_v)
        pltpu.sync_copy(seg_hbm, seg_v)

        zvec = jnp.zeros((L,), jnp.float32)
        ones = jnp.ones((L,), jnp.float32)
        iota = lax.iota(jnp.int32, L)
        kd1 = jnp.full((L,), D - 1, jnp.int32)
        zeros = tuple(zvec for _ in range(T))

        def zero_body(d, carry):
            for t in range(T):
                o_v[pl.ds(d * BC + t * L, L)] = zvec
            return carry

        lax.fori_loop(0, D, zero_body, 0)

        def zero_flags(q, carry):
            f_v[pl.ds(q * L, L)] = zvec
            return carry

        lax.fori_loop(0, FD // L, zero_flags, 0)

        def prefill(q, carry):
            pp_v[pl.ds(q * L, L)] = kd1
            cp_v[pl.ds(q * L, L)] = zvec
            return carry

        lax.fori_loop(0, S // L, prefill, 0)

        def build_seg(d, cb):
            pk = seg_v[pl.ds(d, L)][0]
            start = lax.shift_right_logical(pk, 14)
            ln = jnp.bitwise_and(pk, 16383)
            nch = lax.shift_right_logical(ln + 15, 4)
            lnv = jnp.broadcast_to(ln, (L,)) - iota

            def build_chunk(q, carry):
                src = start + q * L
                dst = cb + q * L
                mm = jnp.minimum(jnp.maximum(lnv - q * L, 0), 1)
                pp_v[pl.ds(dst, L)] = p_v[pl.ds(src, L)]
                cp_v[pl.ds(dst, L)] = c_v[pl.ds(src, L)] * mm.astype(jnp.float32)
                return carry

            lax.fori_loop(0, nch, build_chunk, 0)
            return cb + nch * L

        lax.fori_loop(0, D, build_seg, jnp.int32(0))

        HW = BC // 2
        def body(g, acc):
            base = g * L
            pv = pp_v[pl.ds(base, L)]
            cv = cp_v[pl.ds(base, L)]
            ivO = lax.shift_right_logical(pv, 18) * HW
            jvO = jnp.bitwise_and(lax.shift_right_logical(pv, 9), 511) * HW
            kv = jnp.bitwise_and(pv, 511)
            for m in range(L):
                ivec = jnp.broadcast_to(ivO[m], (L,)) + iota
                jvec = jnp.broadcast_to(jvO[m], (L,)) + iota
                cvecf = jnp.broadcast_to(cv[m], (L,))
                cb = plsc.pack(cvecf, cvecf, format=plsc.PackFormat.INTERLEAVED)
                new_acc = []
                for h in range(T // 2):
                    a = plsc.load_gather(
                        u1_v.at[pl.ds(h * L, D * HW - h * L)], [ivec])
                    b = plsc.load_gather(
                        u2_v.at[pl.ds(h * L, D * HW - h * L)], [jvec])
                    ab = plsc.bitcast(a, jnp.bfloat16) * plsc.bitcast(b, jnp.bfloat16)
                    pe, po = plsc.unpack(ab * cb, format=plsc.PackFormat.INTERLEAVED)
                    new_acc.append(acc[2 * h] + pe)
                    new_acc.append(acc[2 * h + 1] + po)
                acc = tuple(new_acc)
            kvO = kv * BC
            kvec = jnp.broadcast_to(kvO[0], (L,)) + iota
            for t in range(T):
                plsc.store_scatter(
                    o_v.at[pl.ds(t * L, D * BC - t * L)], [kvec], acc[t])
            plsc.store_scatter(f_v, [kv], ones)
            return acc

        lax.fori_loop(0, S // L, body, zeros)

        def diff_body(d, last):
            fv = jnp.broadcast_to(f_v[pl.ds(d, L)][0], (L,))
            new_last = []
            for t in range(T):
                tmp = o_v[pl.ds(d * BC + t * L, L)]
                diff = (tmp - last[t]) * fv
                o_v[pl.ds(d * BC + t * L, L)] = diff
                new_last.append(last[t] + diff)
            return tuple(new_last)

        lax.fori_loop(0, D, diff_body, zeros)

        pltpu.sync_copy(o_v, out_hbm.at[wid])

    return sc_kernel(u1w, u2w, p3, coef, segpack)


def _sym_scalar_tc(v1, v2):
    B, D = v1.shape
    blk = 256

    def body(v1_ref, v2_ref, sym_ref, sc_ref):
        p = v1_ref[...] * v2_ref[...]
        sym_ref[...] = p
        sc_ref[...] = jnp.sum(p, axis=-1, keepdims=True)

    return pl.pallas_call(
        body,
        grid=(B // blk,),
        in_specs=[
            pl.BlockSpec((blk, D), lambda b: (b, 0)),
            pl.BlockSpec((blk, D), lambda b: (b, 0)),
        ],
        out_specs=[
            pl.BlockSpec((blk, D), lambda b: (b, 0)),
            pl.BlockSpec((blk, 1), lambda b: (b, 0)),
        ],
        out_shape=[
            jax.ShapeDtypeStruct((B, D), jnp.float32),
            jax.ShapeDtypeStruct((B, 1), jnp.float32),
        ],
    )(v1, v2)


def kernel(v1, v2, I, J, K, C):
    B, D = v1.shape
    NNZ = I.shape[0]
    BC = B // NW

    I = I.astype(jnp.int32)
    J = J.astype(jnp.int32)
    K = K.astype(jnp.int32)
    C = C.astype(jnp.float32)

    P3 = (I * 512 + J) * 512 + K
    P3 = jnp.concatenate([P3, jnp.full((L,), D - 1, jnp.int32)])
    Cp = jnp.concatenate([C, jnp.zeros((L,), jnp.float32)])
    NP = NNZ + L

    seg_bnd = jnp.sum(
        K[None, :] < jnp.arange(D + 1, dtype=jnp.int32)[:, None],
        axis=1).astype(jnp.int32)
    seg_start = seg_bnd[:D]
    lens = seg_bnd[1:] - seg_start
    segpack = seg_start * 16384 + lens
    segpack = jnp.concatenate([segpack, jnp.zeros((L,), jnp.int32)])

    S = ((NNZ + (L - 1) * D + L - 1) // L) * L

    def _pack_bf16(v):
        w = jnp.transpose(v.reshape(NW, BC, D), (0, 2, 1))
        w = w.astype(jnp.bfloat16).reshape(NW, D * BC // 2, 2)
        return lax.bitcast_convert_type(w, jnp.int32)

    u1w = _pack_bf16(v1)
    u2w = _pack_bf16(v2)
    outw = _bracket_sc(u1w, u2w, P3, Cp, segpack, D, BC, NP, S)
    antisym = jnp.transpose(
        outw.reshape(NW, D, 2, 2, L), (0, 2, 4, 3, 1)).reshape(B, D)

    sym, scalar = _sym_scalar_tc(v1, v2)
    return (antisym, sym, scalar)

# --- scband reference (transcript-rebuilt; emitter-appended) ---
"""Pipeline reference for scband-clebsch-gordan-decomposer-3977139716373 (READ-ONLY COPY).

The authoritative reference and input builder live on the scoring server;
editing this copy changes nothing except your own understanding.
"""

import jax, jax.numpy as jnp
import numpy as np


def setup_inputs(seed: int = 0) -> dict:
    key = jax.random.key(seed)
    k1, k2, k3, k4, k5, k6 = jax.random.split(key, 6)
    B, D, NNZ = 2048, 248, 12000
    v1 = jax.random.normal(k1, (B, D), dtype=jnp.float32)
    v2 = jax.random.normal(k2, (B, D), dtype=jnp.float32)
    I = jax.random.randint(k3, (NNZ,), 0, D)
    J = jax.random.randint(k4, (NNZ,), 0, D)
    K = jnp.sort(jax.random.randint(k5, (NNZ,), 0, D))
    C = jax.random.normal(k6, (NNZ,), dtype=jnp.float32)
    return {"v1": v1, "v2": v2, "I": I, "J": J, "K": K, "C": C}


def reference(v1, v2, I, J, K, C):
    # SparseLieBracket: [v1, v2]_k = sum_n C[n] * v1[I[n]] * v2[J[n]] with output index K[n]
    D = v1.shape[-1]
    prod = v1[:, I] * v2[:, J] * C[None, :]          # [B, NNZ] gather + elementwise
    antisym = jax.ops.segment_sum(prod.T, K, num_segments=D).T  # scatter-add -> [B, D]
    # scalar (singlet) component: dot product
    scalar = jnp.sum(v1 * v2, axis=-1, keepdims=True)  # [B, 1]
    # symmetric component approximation: elementwise product
    sym = v1 * v2                                      # [B, D]
    return (antisym, sym, scalar)

if __name__ == "__main__":
    import jax
    _d = setup_inputs()
    print(jax.jit(kernel)(*tuple(_d.values())))

</pallas_src>

<mosaic_0001>
#map = affine_map<(d0, d1) -> (0, 0)>
#map1 = affine_map<(d0, d1) -> (0)>
module attributes {stable_mosaic.version = 14 : i64} {
  func.func @sc_kernel(%arg0: i32, %arg1: i32, %arg2: memref<32x7936xi32, #tpu.memory_space<hbm>>, %arg3: memref<32x7936xi32, #tpu.memory_space<hbm>>, %arg4: memref<12016xi32, #tpu.memory_space<hbm>>, %arg5: memref<12016xf32, #tpu.memory_space<hbm>>, %arg6: memref<264xi32, #tpu.memory_space<hbm>>, %arg7: memref<32x15872xf32, #tpu.memory_space<hbm>>, %arg8: memref<7936xi32, #tpu.memory_space<vmem>>, %arg9: memref<7936xi32, #tpu.memory_space<vmem>>, %arg10: memref<15872xf32, #tpu.memory_space<vmem>>, %arg11: memref<272xf32, #tpu.memory_space<vmem>>, %arg12: memref<12016xi32, #tpu.memory_space<vmem>>, %arg13: memref<12016xf32, #tpu.memory_space<vmem>>, %arg14: memref<15728xi32, #tpu.memory_space<vmem>>, %arg15: memref<15728xf32, #tpu.memory_space<vmem>>, %arg16: memref<264xi32, #tpu.memory_space<vmem>>) attributes {dimension_semantics = [#tpu.dimension_semantics<core_parallel>, #tpu.dimension_semantics<subcore_parallel>], iteration_bounds = array<i64: 2, 16>, scalar_prefetch = 0 : i64, scratch_operands = 9 : i64, tpu.core_type = #tpu.core_type<sc_vector_subcore>, window_params = [{transform_indices = #map}, {transform_indices = #map}, {transform_indices = #map1}, {transform_indices = #map1}, {transform_indices = #map1}, {transform_indices = #map}]} {
    %mul3A = arith.constant 2 : i32
    %mul3A_0 = arith.muli %arg1, %mul3A : i32
    %add3A = arith.addi %mul3A_0, %arg0 : i32
    "tpu.region"() ({
      %run_scoped3A = tpu.sem_alloc : memref<!tpu.dma_semaphore, #tpu.memory_space<semaphore_mem>>
      %dma_start3A = arith.constant 0 : i32
      %dma_start3A_42 = tpu.memref_slice %arg2[%add3A, %dma_start3A] : memref<32x7936xi32, #tpu.memory_space<hbm>> -> memref<1x7936xi32, #tpu.memory_space<hbm>>
      %dma_start3A_43 = tpu.memref_squeeze %dma_start3A_42 : memref<1x7936xi32, #tpu.memory_space<hbm>> -> memref<7936xi32, #tpu.memory_space<hbm>>
      %dma_start3A_44 = arith.constant 0 : i32
      %dma_start3A_45 = tpu.memref_slice %arg2[%add3A, %dma_start3A_44] : memref<32x7936xi32, #tpu.memory_space<hbm>> -> memref<1x7936xi32, #tpu.memory_space<hbm>>
      %dma_start3A_46 = tpu.memref_squeeze %dma_start3A_45 : memref<1x7936xi32, #tpu.memory_space<hbm>> -> memref<7936xi32, #tpu.memory_space<hbm>>
      tpu.enqueue_dma source(%dma_start3A_46 : memref<7936xi32, #tpu.memory_space<hbm>>) target(%arg8 : memref<7936xi32, #tpu.memory_space<vmem>>) target_semaphore(%run_scoped3A : memref<!tpu.dma_semaphore, #tpu.memory_space<semaphore_mem>>)
      %dma_wait3A = arith.constant 0 : i32
      %dma_wait3A_47 = tpu.memref_slice %arg2[%add3A, %dma_wait3A] : memref<32x7936xi32, #tpu.memory_space<hbm>> -> memref<1x7936xi32, #tpu.memory_space<hbm>>
      %dma_wait3A_48 = tpu.memref_squeeze %dma_wait3A_47 : memref<1x7936xi32, #tpu.memory_space<hbm>> -> memref<7936xi32, #tpu.memory_space<hbm>>
      %dma_wait3A_49 = arith.constant 0 : i32
      %dma_wait3A_50 = tpu.memref_slice %arg2[%add3A, %dma_wait3A_49] : memref<32x7936xi32, #tpu.memory_space<hbm>> -> memref<1x7936xi32, #tpu.memory_space<hbm>>
      %dma_wait3A_51 = tpu.memref_squeeze %dma_wait3A_50 : memref<1x7936xi32, #tpu.memory_space<hbm>> -> memref<7936xi32, #tpu.memory_space<hbm>>
      tpu.wait_dma2 semaphore(%run_scoped3A : memref<!tpu.dma_semaphore, #tpu.memory_space<semaphore_mem>>) src(%dma_wait3A_51 : memref<7936xi32, #tpu.memory_space<hbm>>) dst(%arg8 : memref<7936xi32, #tpu.memory_space<vmem>>)
      tpu.yield
    }) : () -> ()
    "tpu.region"() ({
      %run_scoped3A = tpu.sem_alloc : memref<!tpu.dma_semaphore, #tpu.memory_space<semaphore_mem>>
      %dma_start3A = arith.constant 0 : i32
      %dma_start3A_42 = tpu.memref_slice %arg3[%add3A, %dma_start3A] : memref<32x7936xi32, #tpu.memory_space<hbm>> -> memref<1x7936xi32, #tpu.memory_space<hbm>>
      %dma_start3A_43 = tpu.memref_squeeze %dma_start3A_42 : memref<1x7936xi32, #tpu.memory_space<hbm>> -> memref<7936xi32, #tpu.memory_space<hbm>>
      %dma_start3A_44 = arith.constant 0 : i32
      %dma_start3A_45 = tpu.memref_slice %arg3[%add3A, %dma_start3A_44] : memref<32x7936xi32, #tpu.memory_space<hbm>> -> memref<1x7936xi32, #tpu.memory_space<hbm>>
      %dma_start3A_46 = tpu.memref_squeeze %dma_start3A_45 : memref<1x7936xi32, #tpu.memory_space<hbm>> -> memref<7936xi32, #tpu.memory_space<hbm>>
      tpu.enqueue_dma source(%dma_start3A_46 : memref<7936xi32, #tpu.memory_space<hbm>>) target(%arg9 : memref<7936xi32, #tpu.memory_space<vmem>>) target_semaphore(%run_scoped3A : memref<!tpu.dma_semaphore, #tpu.memory_space<semaphore_mem>>)
      %dma_wait3A = arith.constant 0 : i32
      %dma_wait3A_47 = tpu.memref_slice %arg3[%add3A, %dma_wait3A] : memref<32x7936xi32, #tpu.memory_space<hbm>> -> memref<1x7936xi32, #tpu.memory_space<hbm>>
      %dma_wait3A_48 = tpu.memref_squeeze %dma_wait3A_47 : memref<1x7936xi32, #tpu.memory_space<hbm>> -> memref<7936xi32, #tpu.memory_space<hbm>>
      %dma_wait3A_49 = arith.constant 0 : i32
      %dma_wait3A_50 = tpu.memref_slice %arg3[%add3A, %dma_wait3A_49] : memref<32x7936xi32, #tpu.memory_space<hbm>> -> memref<1x7936xi32, #tpu.memory_space<hbm>>
      %dma_wait3A_51 = tpu.memref_squeeze %dma_wait3A_50 : memref<1x7936xi32, #tpu.memory_space<hbm>> -> memref<7936xi32, #tpu.memory_space<hbm>>
      tpu.wait_dma2 semaphore(%run_scoped3A : memref<!tpu.dma_semaphore, #tpu.memory_space<semaphore_mem>>) src(%dma_wait3A_51 : memref<7936xi32, #tpu.memory_space<hbm>>) dst(%arg9 : memref<7936xi32, #tpu.memory_space<vmem>>)
      tpu.yield
    }) : () -> ()
    "tpu.region"() ({
      %run_scoped3A = tpu.sem_alloc : memref<!tpu.dma_semaphore, #tpu.memory_space<semaphore_mem>>
      tpu.enqueue_dma source(%arg4 : memref<12016xi32, #tpu.memory_space<hbm>>) target(%arg12 : memref<12016xi32, #tpu.memory_space<vmem>>) target_semaphore(%run_scoped3A : memref<!tpu.dma_semaphore, #tpu.memory_space<semaphore_mem>>)
      tpu.wait_dma2 semaphore(%run_scoped3A : memref<!tpu.dma_semaphore, #tpu.memory_space<semaphore_mem>>) src(%arg4 : memref<12016xi32, #tpu.memory_space<hbm>>) dst(%arg12 : memref<12016xi32, #tpu.memory_space<vmem>>)
      tpu.yield
    }) : () -> ()
    "tpu.region"() ({
      %run_scoped3A = tpu.sem_alloc : memref<!tpu.dma_semaphore, #tpu.memory_space<semaphore_mem>>
      tpu.enqueue_dma source(%arg5 : memref<12016xf32, #tpu.memory_space<hbm>>) target(%arg13 : memref<12016xf32, #tpu.memory_space<vmem>>) target_semaphore(%run_scoped3A : memref<!tpu.dma_semaphore, #tpu.memory_space<semaphore_mem>>)
      tpu.wait_dma2 semaphore(%run_scoped3A : memref<!tpu.dma_semaphore, #tpu.memory_space<semaphore_mem>>) src(%arg5 : memref<12016xf32, #tpu.memory_space<hbm>>) dst(%arg13 : memref<12016xf32, #tpu.memory_space<vmem>>)
      tpu.yield
    }) : () -> ()
    "tpu.region"() ({
      %run_scoped3A = tpu.sem_alloc : memref<!tpu.dma_semaphore, #tpu.memory_space<semaphore_mem>>
      tpu.enqueue_dma source(%arg6 : memref<264xi32, #tpu.memory_space<hbm>>) target(%arg16 : memref<264xi32, #tpu.memory_space<vmem>>) target_semaphore(%run_scoped3A : memref<!tpu.dma_semaphore, #tpu.memory_space<semaphore_mem>>)
      tpu.wait_dma2 semaphore(%run_scoped3A : memref<!tpu.dma_semaphore, #tpu.memory_space<semaphore_mem>>) src(%arg6 : memref<264xi32, #tpu.memory_space<hbm>>) dst(%arg16 : memref<264xi32, #tpu.memory_space<vmem>>)
      tpu.yield
    }) : () -> ()
    %broadcast_in_dim3A = arith.constant 0.000000e+00 : f32
    %broadcast_in_dim3A_1 = vector.broadcast %broadcast_in_dim3A : f32 to vector<16xf32>
    %broadcast_in_dim3A_2 = arith.constant 1.000000e+00 : f32
    %broadcast_in_dim3A_3 = vector.broadcast %broadcast_in_dim3A_2 : f32 to vector<16xf32>
    %iota3A = tpu.iota {dimensions = array<i32: 0>} : vector<16xi32>
    %broadcast_in_dim3A_4 = arith.constant 247 : i32
    %broadcast_in_dim3A_5 = vector.broadcast %broadcast_in_dim3A_4 : i32 to vector<16xi32>
    %scan3A = arith.constant 0 : i32
    %scan3A_6 = arith.constant 0 : i32
    %scan3A_7 = arith.constant 248 : i32
    %scan3A_8 = arith.addi %scan3A_6, %scan3A_7 : i32
    %scan3A_9 = arith.constant 1 : i32
    scf.for %scan3A_42 = %scan3A_6 to %scan3A_8 step %scan3A_9  : i32 {
      %mul3A_43 = arith.constant 64 : i32
      %mul3A_44 = arith.muli %scan3A_42, %mul3A_43 : i32
      %add3A_45 = arith.constant 0 : i32
      %add3A_46 = arith.addi %mul3A_44, %add3A_45 : i32
      %swap3A = arith.index_cast %add3A_46 : i32 to index
      %swap3A_47 = tpu.vector_load %arg10[%swap3A] {strides = array<i32>} : memref<15872xf32, #tpu.memory_space<vmem>>, vector<16xf32>,
      tpu.vector_store %arg10[%swap3A], %broadcast_in_dim3A_1 {strides = array<i32>} : memref<15872xf32, #tpu.memory_space<vmem>>, vector<16xf32>,
      %mul3A_48 = arith.constant 64 : i32
      %mul3A_49 = arith.muli %scan3A_42, %mul3A_48 : i32
      %add3A_50 = arith.constant 16 : i32
      %add3A_51 = arith.addi %mul3A_49, %add3A_50 : i32
      %swap3A_52 = arith.index_cast %add3A_51 : i32 to index
      %swap3A_53 = tpu.vector_load %arg10[%swap3A_52] {strides = array<i32>} : memref<15872xf32, #tpu.memory_space<vmem>>, vector<16xf32>,
      tpu.vector_store %arg10[%swap3A_52], %broadcast_in_dim3A_1 {strides = array<i32>} : memref<15872xf32, #tpu.memory_space<vmem>>, vector<16xf32>,
      %mul3A_54 = arith.constant 64 : i32
      %mul3A_55 = arith.muli %scan3A_42, %mul3A_54 : i32
      %add3A_56 = arith.constant 32 : i32
      %add3A_57 = arith.addi %mul3A_55, %add3A_56 : i32
      %swap3A_58 = arith.index_cast %add3A_57 : i32 to index
      %swap3A_59 = tpu.vector_load %arg10[%swap3A_58] {strides = array<i32>} : memref<15872xf32, #tpu.memory_space<vmem>>, vector<16xf32>,
      tpu.vector_store %arg10[%swap3A_58], %broadcast_in_dim3A_1 {strides = array<i32>} : memref<15872xf32, #tpu.memory_space<vmem>>, vector<16xf32>,
      %mul3A_60 = arith.constant 64 : i32
      %mul3A_61 = arith.muli %scan3A_42, %mul3A_60 : i32
      %add3A_62 = arith.constant 48 : i32
      %add3A_63 = arith.addi %mul3A_61, %add3A_62 : i32
      %swap3A_64 = arith.index_cast %add3A_63 : i32 to index
      %swap3A_65 = tpu.vector_load %arg10[%swap3A_64] {strides = array<i32>} : memref<15872xf32, #tpu.memory_space<vmem>>, vector<16xf32>,
      tpu.vector_store %arg10[%swap3A_64], %broadcast_in_dim3A_1 {strides = array<i32>} : memref<15872xf32, #tpu.memory_space<vmem>>, vector<16xf32>,
    }
    %scan3A_10 = arith.constant 248 : i32
    %scan3A_11 = arith.constant 0 : i32
    %scan3A_12 = arith.constant 0 : i32
    %scan3A_13 = arith.constant 17 : i32
    %scan3A_14 = arith.addi %scan3A_12, %scan3A_13 : i32
    %scan3A_15 = arith.constant 1 : i32
    scf.for %scan3A_42 = %scan3A_12 to %scan3A_14 step %scan3A_15  : i32 {
      %mul3A_43 = arith.constant 16 : i32
      %mul3A_44 = arith.muli %scan3A_42, %mul3A_43 : i32
      %swap3A = arith.index_cast %mul3A_44 : i32 to index
      %swap3A_45 = tpu.vector_load %arg11[%swap3A] {strides = array<i32>} : memref<272xf32, #tpu.memory_space<vmem>>, vector<16xf32>,
      tpu.vector_store %arg11[%swap3A], %broadcast_in_dim3A_1 {strides = array<i32>} : memref<272xf32, #tpu.memory_space<vmem>>, vector<16xf32>,
    }
    %scan3A_16 = arith.constant 17 : i32
    %scan3A_17 = arith.constant 0 : i32
    %scan3A_18 = arith.constant 0 : i32
    %scan3A_19 = arith.constant 983 : i32
    %scan3A_20 = arith.addi %scan3A_18, %scan3A_19 : i32
    %scan3A_21 = arith.constant 1 : i32
    scf.for %scan3A_42 = %scan3A_18 to %scan3A_20 step %scan3A_21  : i32 {
      %mul3A_43 = arith.constant 16 : i32
      %mul3A_44 = arith.muli %scan3A_42, %mul3A_43 : i32
      %swap3A = arith.index_cast %mul3A_44 : i32 to index
      %swap3A_45 = tpu.vector_load %arg14[%swap3A] {strides = array<i32>} : memref<15728xi32, #tpu.memory_space<vmem>>, vector<16xi32>,
      tpu.vector_store %arg14[%swap3A], %broadcast_in_dim3A_5 {strides = array<i32>} : memref<15728xi32, #tpu.memory_space<vmem>>, vector<16xi32>,
      %mul3A_46 = arith.constant 16 : i32
      %mul3A_47 = arith.muli %scan3A_42, %mul3A_46 : i32
      %swap3A_48 = arith.index_cast %mul3A_47 : i32 to index
      %swap3A_49 = tpu.vector_load %arg15[%swap3A_48] {strides = array<i32>} : memref<15728xf32, #tpu.memory_space<vmem>>, vector<16xf32>,
      tpu.vector_store %arg15[%swap3A_48], %broadcast_in_dim3A_1 {strides = array<i32>} : memref<15728xf32, #tpu.memory_space<vmem>>, vector<16xf32>,
    }
    %scan3A_22 = arith.constant 983 : i32
    %scan3A_23 = arith.constant 0 : i32
    %scan3A_24 = arith.constant 0 : i32
    %scan3A_25 = arith.constant 248 : i32
    %scan3A_26 = arith.addi %scan3A_24, %scan3A_25 : i32
    %scan3A_27 = arith.constant 1 : i32
    %scan3A_28 = scf.for %scan3A_42 = %scan3A_24 to %scan3A_26 step %scan3A_27 iter_args(%scan3A_43 = %scan3A_23) -> (i32)  : i32 {
      %get3A = arith.index_cast %scan3A_42 : i32 to index
      %get3A_44 = tpu.vector_load %arg16[%get3A] {strides = array<i32>} : memref<264xi32, #tpu.memory_space<vmem>>, vector<16xi32>,
      %slice3A = vector.extract_strided_slice %get3A_44 {offsets = [0], sizes = [1], strides = [1]} : vector<16xi32> to vector<1xi32>
      %squeeze3A = vector.extract %slice3A[0] : i32 from vector<1xi32>
      %shift_right_logical3A = arith.constant 14 : i32
      %shift_right_logical3A_45 = arith.shrui %squeeze3A, %shift_right_logical3A : i32
      %and3A = arith.constant 16383 : i32
      %and3A_46 = arith.andi %squeeze3A, %and3A : i32
      %add3A_47 = arith.constant 15 : i32
      %add3A_48 = arith.addi %and3A_46, %add3A_47 : i32
      %shift_right_logical3A_49 = arith.constant 4 : i32
      %shift_right_logical3A_50 = arith.shrui %add3A_48, %shift_right_logical3A_49 : i32
      %broadcast_in_dim3A_51 = vector.broadcast %and3A_46 : i32 to vector<16xi32>
      %sub3A = arith.subi %broadcast_in_dim3A_51, %iota3A : vector<16xi32>
      %while3A = arith.constant 0 : i32
      %while3A_52 = arith.constant 0 : i32
      %while3A_53 = arith.subi %shift_right_logical3A_50, %while3A_52 : i32
      %while3A_54 = arith.addi %while3A_52, %while3A_53 : i32
      %while3A_55 = arith.constant 1 : i32
      %while3A_56 = arith.divsi %while3A_53, %while3A_55 : i32
      %while3A_57 = arith.muli %while3A_56, %while3A_55 : i32
      %while3A_58 = arith.addi %while3A_52, %while3A_57 : i32
      %while3A_59 = arith.constant 1 : i32
      scf.for %while3A_64 = %while3A_52 to %while3A_58 step %while3A_59  : i32 {
        %mul3A_65 = arith.constant 16 : i32
        %mul3A_66 = arith.muli %while3A_64, %mul3A_65 : i32
        %add3A_67 = arith.addi %shift_right_logical3A_45, %mul3A_66 : i32
        %mul3A_68 = arith.constant 16 : i32
        %mul3A_69 = arith.muli %while3A_64, %mul3A_68 : i32
        %add3A_70 = arith.addi %scan3A_43, %mul3A_69 : i32
        %mul3A_71 = arith.constant 16 : i32
        %mul3A_72 = arith.muli %while3A_64, %mul3A_71 : i32
        %sub3A_73 = vector.broadcast %mul3A_72 : i32 to vector<16xi32>
        %sub3A_74 = arith.subi %sub3A, %sub3A_73 : vector<16xi32>
        %max3A = arith.constant 0 : i32
        %max3A_75 = vector.broadcast %max3A : i32 to vector<16xi32>
        %max3A_76 = arith.maxsi %sub3A_74, %max3A_75 : vector<16xi32>
        %min3A = arith.constant 1 : i32
        %min3A_77 = vector.broadcast %min3A : i32 to vector<16xi32>
        %min3A_78 = arith.minsi %max3A_76, %min3A_77 : vector<16xi32>
        %get3A_79 = arith.index_cast %add3A_67 : i32 to index
        %get3A_80 = tpu.vector_load %arg12[%get3A_79] {strides = array<i32>} : memref<12016xi32, #tpu.memory_space<vmem>>, vector<16xi32>,
        %swap3A = arith.index_cast %add3A_70 : i32 to index
        %swap3A_81 = tpu.vector_load %arg14[%swap3A] {strides = array<i32>} : memref<15728xi32, #tpu.memory_space<vmem>>, vector<16xi32>,
        tpu.vector_store %arg14[%swap3A], %get3A_80 {strides = array<i32>} : memref<15728xi32, #tpu.memory_space<vmem>>, vector<16xi32>,
        %get3A_82 = arith.index_cast %add3A_67 : i32 to index
        %get3A_83 = tpu.vector_load %arg13[%get3A_82] {strides = array<i32>} : memref<12016xf32, #tpu.memory_space<vmem>>, vector<16xf32>,
        %convert_element_type3A = arith.sitofp %min3A_78 : vector<16xi32> to vector<16xf32>
        %mul3A_84 = arith.mulf %get3A_83, %convert_element_type3A : vector<16xf32>
        %swap3A_85 = arith.index_cast %add3A_70 : i32 to index
        %swap3A_86 = tpu.vector_load %arg15[%swap3A_85] {strides = array<i32>} : memref<15728xf32, #tpu.memory_space<vmem>>, vector<16xf32>,
        tpu.vector_store %arg15[%swap3A_85], %mul3A_84 {strides = array<i32>} : memref<15728xf32, #tpu.memory_space<vmem>>, vector<16xf32>,
      }
      %while3A_60 = arith.constant 1 : i32
      scf.for %while3A_64 = %while3A_58 to %while3A_54 step %while3A_60  : i32 {
        %mul3A_65 = arith.constant 16 : i32
        %mul3A_66 = arith.muli %while3A_64, %mul3A_65 : i32
        %add3A_67 = arith.addi %shift_right_logical3A_45, %mul3A_66 : i32
        %mul3A_68 = arith.constant 16 : i32
        %mul3A_69 = arith.muli %while3A_64, %mul3A_68 : i32
        %add3A_70 = arith.addi %scan3A_43, %mul3A_69 : i32
        %mul3A_71 = arith.constant 16 : i32
        %mul3A_72 = arith.muli %while3A_64, %mul3A_71 : i32
        %sub3A_73 = vector.broadcast %mul3A_72 : i32 to vector<16xi32>
        %sub3A_74 = arith.subi %sub3A, %sub3A_73 : vector<16xi32>
        %max3A = arith.constant 0 : i32
        %max3A_75 = vector.broadcast %max3A : i32 to vector<16xi32>
        %max3A_76 = arith.maxsi %sub3A_74, %max3A_75 : vector<16xi32>
        %min3A = arith.constant 1 : i32
        %min3A_77 = vector.broadcast %min3A : i32 to vector<16xi32>
        %min3A_78 = arith.minsi %max3A_76, %min3A_77 : vector<16xi32>
        %get3A_79 = arith.index_cast %add3A_67 : i32 to index
        %get3A_80 = tpu.vector_load %arg12[%get3A_79] {strides = array<i32>} : memref<12016xi32, #tpu.memory_space<vmem>>, vector<16xi32>,
        %swap3A = arith.index_cast %add3A_70 : i32 to index
        %swap3A_81 = tpu.vector_load %arg14[%swap3A] {strides = array<i32>} : memref<15728xi32, #tpu.memory_space<vmem>>, vector<16xi32>,
        tpu.vector_store %arg14[%swap3A], %get3A_80 {strides = array<i32>} : memref<15728xi32, #tpu.memory_space<vmem>>, vector<16xi32>,
        %get3A_82 = arith.index_cast %add3A_67 : i32 to index
        %get3A_83 = tpu.vector_load %arg13[%get3A_82] {strides = array<i32>} : memref<12016xf32, #tpu.memory_space<vmem>>, vector<16xf32>,
        %convert_element_type3A = arith.sitofp %min3A_78 : vector<16xi32> to vector<16xf32>
        %mul3A_84 = arith.mulf %get3A_83, %convert_element_type3A : vector<16xf32>
        %swap3A_85 = arith.index_cast %add3A_70 : i32 to index
        %swap3A_86 = tpu.vector_load %arg15[%swap3A_85] {strides = array<i32>} : memref<15728xf32, #tpu.memory_space<vmem>>, vector<16xf32>,
        tpu.vector_store %arg15[%swap3A_85], %mul3A_84 {strides = array<i32>} : memref<15728xf32, #tpu.memory_space<vmem>>, vector<16xf32>,
      }
      %mul3A_61 = arith.constant 16 : i32
      %mul3A_62 = arith.muli %shift_right_logical3A_50, %mul3A_61 : i32
      %add3A_63 = arith.addi %scan3A_43, %mul3A_62 : i32
      scf.yield %add3A_63 : i32
    }
    %scan3A_29 = arith.constant 248 : i32
    %scan3A_30 = arith.constant 0 : i32
    %scan3A_31 = arith.constant 983 : i32
    %scan3A_32 = arith.addi %scan3A_30, %scan3A_31 : i32
    %scan3A_33 = arith.constant 1 : i32
    %scan3A_34:4 = scf.for %scan3A_42 = %scan3A_30 to %scan3A_32 step %scan3A_33 iter_args(%scan3A_43 = %broadcast_in_dim3A_1, %scan3A_44 = %broadcast_in_dim3A_1, %scan3A_45 = %broadcast_in_dim3A_1, %scan3A_46 = %broadcast_in_dim3A_1) -> (vector<16xf32>, vector<16xf32>, vector<16xf32>, vector<16xf32>)  : i32 {
      %mul3A_47 = arith.constant 16 : i32
      %mul3A_48 = arith.muli %scan3A_42, %mul3A_47 : i32
      %get3A = arith.index_cast %mul3A_48 : i32 to index
      %get3A_49 = tpu.vector_load %arg14[%get3A] {strides = array<i32>} : memref<15728xi32, #tpu.memory_space<vmem>>, vector<16xi32>,
      %get3A_50 = arith.index_cast %mul3A_48 : i32 to index
      %get3A_51 = tpu.vector_load %arg15[%get3A_50] {strides = array<i32>} : memref<15728xf32, #tpu.memory_space<vmem>>, vector<16xf32>,
      %shift_right_logical3A = arith.constant 18 : i32
      %shift_right_logical3A_52 = vector.broadcast %shift_right_logical3A : i32 to vector<16xi32>
      %shift_right_logical3A_53 = arith.shrui %get3A_49, %shift_right_logical3A_52 : vector<16xi32>
      %mul3A_54 = arith.constant 32 : i32
      %mul3A_55 = vector.broadcast %mul3A_54 : i32 to vector<16xi32>
      %mul3A_56 = arith.muli %shift_right_logical3A_53, %mul3A_55 : vector<16xi32>
      %shift_right_logical3A_57 = arith.constant 9 : i32
      %shift_right_logical3A_58 = vector.broadcast %shift_right_logical3A_57 : i32 to vector<16xi32>
      %shift_right_logical3A_59 = arith.shrui %get3A_49, %shift_right_logical3A_58 : vector<16xi32>
      %and3A = arith.constant 511 : i32
      %and3A_60 = vector.broadcast %and3A : i32 to vector<16xi32>
      %and3A_61 = arith.andi %shift_right_logical3A_59, %and3A_60 : vector<16xi32>
      %mul3A_62 = arith.constant 32 : i32
      %mul3A_63 = vector.broadcast %mul3A_62 : i32 to vector<16xi32>
      %mul3A_64 = arith.muli %and3A_61, %mul3A_63 : vector<16xi32>
      %and3A_65 = arith.constant 511 : i32
      %and3A_66 = vector.broadcast %and3A_65 : i32 to vector<16xi32>
      %and3A_67 = arith.andi %get3A_49, %and3A_66 : vector<16xi32>
      %slice3A = vector.extract_strided_slice %mul3A_56 {offsets = [0], sizes = [1], strides = [1]} : vector<16xi32> to vector<1xi32>
      %squeeze3A = vector.extract %slice3A[0] : i32 from vector<1xi32>
      %broadcast_in_dim3A_68 = vector.broadcast %squeeze3A : i32 to vector<16xi32>
      %add3A_69 = arith.addi %broadcast_in_dim3A_68, %iota3A : vector<16xi32>
      %slice3A_70 = vector.extract_strided_slice %mul3A_64 {offsets = [0], sizes = [1], strides = [1]} : vector<16xi32> to vector<1xi32>
      %squeeze3A_71 = vector.extract %slice3A_70[0] : i32 from vector<1xi32>
      %broadcast_in_dim3A_72 = vector.broadcast %squeeze3A_71 : i32 to vector<16xi32>
      %add3A_73 = arith.addi %broadcast_in_dim3A_72, %iota3A : vector<16xi32>
      %slice3A_74 = vector.extract_strided_slice %get3A_51 {offsets = [0], sizes = [1], strides = [1]} : vector<16xf32> to vector<1xf32>
      %squeeze3A_75 = vector.extract %slice3A_74[0] : f32 from vector<1xf32>
      %broadcast_in_dim3A_76 = vector.broadcast %squeeze3A_75 : f32 to vector<16xf32>
      %pack3A = tpu.pack_subelements %broadcast_in_dim3A_76, %broadcast_in_dim3A_76 {pack_format = #tpu.pack_format<interleaved>, positions = array<i32: 0, 1>} : vector<16xf32>, vector<16xf32> -> vector<32xbf16>
      %gather3A = arith.constant 0 : i32
      %gather3A_77 = tpu.memref_slice %arg8[%gather3A] : memref<7936xi32, #tpu.memory_space<vmem>> -> memref<7936xi32, #tpu.memory_space<vmem>>
      %gather3A_78 = tpu.vector_load_idx %gather3A_77[%add3A_69] : memref<7936xi32, #tpu.memory_space<vmem>>[vector<16xi32>], vector<16xi32>,
      %gather3A_79 = arith.constant 0 : i32
      %gather3A_80 = tpu.memref_slice %arg9[%gather3A_79] : memref<7936xi32, #tpu.memory_space<vmem>> -> memref<7936xi32, #tpu.memory_space<vmem>>
      %gather3A_81 = tpu.vector_load_idx %gather3A_80[%add3A_73] : memref<7936xi32, #tpu.memory_space<vmem>>[vector<16xi32>], vector<16xi32>,
      %bitcast3A = vector.bitcast %gather3A_78 : vector<16xi32> to vector<32xbf16>
      %bitcast3A_82 = vector.bitcast %gather3A_81 : vector<16xi32> to vector<32xbf16>
      %mul3A_83 = arith.mulf %bitcast3A, %bitcast3A_82 : vector<32xbf16>
      %mul3A_84 = arith.mulf %mul3A_83, %pack3A : vector<32xbf16>
      %unpack3A = tpu.unpack_subelements %mul3A_84, 0 {pack_format = #tpu.pack_format<interleaved>} : vector<32xbf16> -> vector<16xf32>
      %unpack3A_85 = tpu.unpack_subelements %mul3A_84, 1 {pack_format = #tpu.pack_format<interleaved>} : vector<32xbf16> -> vector<16xf32>
      %add3A_86 = arith.addf %scan3A_43, %unpack3A : vector<16xf32>
      %add3A_87 = arith.addf %scan3A_44, %unpack3A_85 : vector<16xf32>
      %gather3A_88 = arith.constant 16 : i32
      %gather3A_89 = tpu.memref_slice %arg8[%gather3A_88] : memref<7936xi32, #tpu.memory_space<vmem>> -> memref<7920xi32, #tpu.memory_space<vmem>>
      %gather3A_90 = tpu.vector_load_idx %gather3A_89[%add3A_69] : memref<7920xi32, #tpu.memory_space<vmem>>[vector<16xi32>], vector<16xi32>,
      %gather3A_91 = arith.constant 16 : i32
      %gather3A_92 = tpu.memref_slice %arg9[%gather3A_91] : memref<7936xi32, #tpu.memory_space<vmem>> -> memref<7920xi32, #tpu.memory_space<vmem>>
      %gather3A_93 = tpu.vector_load_idx %gather3A_92[%add3A_73] : memref<7920xi32, #tpu.memory_space<vmem>>[vector<16xi32>], vector<16xi32>,
      %bitcast3A_94 = vector.bitcast %gather3A_90 : vector<16xi32> to vector<32xbf16>
      %bitcast3A_95 = vector.bitcast %gather3A_93 : vector<16xi32> to vector<32xbf16>
      %mul3A_96 = arith.mulf %bitcast3A_94, %bitcast3A_95 : vector<32xbf16>
      %mul3A_97 = arith.mulf %mul3A_96, %pack3A : vector<32xbf16>
      %unpack3A_98 = tpu.unpack_subelements %mul3A_97, 0 {pack_format = #tpu.pack_format<interleaved>} : vector<32xbf16> -> vector<16xf32>
      %unpack3A_99 = tpu.unpack_subelements %mul3A_97, 1 {pack_format = #tpu.pack_format<interleaved>} : vector<32xbf16> -> vector<16xf32>
      %add3A_100 = arith.addf %scan3A_45, %unpack3A_98 : vector<16xf32>
      %add3A_101 = arith.addf %scan3A_46, %unpack3A_99 : vector<16xf32>
      %slice3A_102 = vector.extract_strided_slice %mul3A_56 {offsets = [1], sizes = [1], strides = [1]} : vector<16xi32> to vector<1xi32>
      %squeeze3A_103 = vector.extract %slice3A_102[0] : i32 from vector<1xi32>
      %broadcast_in_dim3A_104 = vector.broadcast %squeeze3A_103 : i32 to vector<16xi32>
      %add3A_105 = arith.addi %broadcast_in_dim3A_104, %iota3A : vector<16xi32>
      %slice3A_106 = vector.extract_strided_slice %mul3A_64 {offsets = [1], sizes = [1], strides = [1]} : vector<16xi32> to vector<1xi32>
      %squeeze3A_107 = vector.extract %slice3A_106[0] : i32 from vector<1xi32>
      %broadcast_in_dim3A_108 = vector.broadcast %squeeze3A_107 : i32 to vector<16xi32>
      %add3A_109 = arith.addi %broadcast_in_dim3A_108, %iota3A : vector<16xi32>
      %slice3A_110 = vector.extract_strided_slice %get3A_51 {offsets = [1], sizes = [1], strides = [1]} : vector<16xf32> to vector<1xf32>
      %squeeze3A_111 = vector.extract %slice3A_110[0] : f32 from vector<1xf32>
      %broadcast_in_dim3A_112 = vector.broadcast %squeeze3A_111 : f32 to vector<16xf32>
      %pack3A_113 = tpu.pack_subelements %broadcast_in_dim3A_112, %broadcast_in_dim3A_112 {pack_format = #tpu.pack_format<interleaved>, positions = array<i32: 0, 1>} : vector<16xf32>, vector<16xf32> -> vector<32xbf16>
      %gather3A_114 = arith.constant 0 : i32
      %gather3A_115 = tpu.memref_slice %arg8[%gather3A_114] : memref<7936xi32, #tpu.memory_space<vmem>> -> memref<7936xi32, #tpu.memory_space<vmem>>
      %gather3A_116 = tpu.vector_load_idx %gather3A_115[%add3A_105] : memref<7936xi32, #tpu.memory_space<vmem>>[vector<16xi32>], vector<16xi32>,
      %gather3A_117 = arith.constant 0 : i32
      %gather3A_118 = tpu.memref_slice %arg9[%gather3A_117] : memref<7936xi32, #tpu.memory_space<vmem>> -> memref<7936xi32, #tpu.memory_space<vmem>>
      %gather3A_119 = tpu.vector_load_idx %gather3A_118[%add3A_109] : memref<7936xi32, #tpu.memory_space<vmem>>[vector<16xi32>], vector<16xi32>,
      %bitcast3A_120 = vector.bitcast %gather3A_116 : vector<16xi32> to vector<32xbf16>
      %bitcast3A_121 = vector.bitcast %gather3A_119 : vector<16xi32> to vector<32xbf16>
      %mul3A_122 = arith.mulf %bitcast3A_120, %bitcast3A_121 : vector<32xbf16>
      %mul3A_123 = arith.mulf %mul3A_122, %pack3A_113 : vector<32xbf16>
      %unpack3A_124 = tpu.unpack_subelements %mul3A_123, 0 {pack_format = #tpu.pack_format<interleaved>} : vector<32xbf16> -> vector<16xf32>
      %unpack3A_125 = tpu.unpack_subelements %mul3A_123, 1 {pack_format = #tpu.pack_format<interleaved>} : vector<32xbf16> -> vector<16xf32>
      %add3A_126 = arith.addf %add3A_86, %unpack3A_124 : vector<16xf32>
      %add3A_127 = arith.addf %add3A_87, %unpack3A_125 : vector<16xf32>
      %gather3A_128 = arith.constant 16 : i32
      %gather3A_129 = tpu.memref_slice %arg8[%gather3A_128] : memref<7936xi32, #tpu.memory_space<vmem>> -> memref<7920xi32, #tpu.memory_space<vmem>>
      %gather3A_130 = tpu.vector_load_idx %gather3A_129[%add3A_105] : memref<7920xi32, #tpu.memory_space<vmem>>[vector<16xi32>], vector<16xi32>,
      %gather3A_131 = arith.constant 16 : i32
      %gather3A_132 = tpu.memref_slice %arg9[%gather3A_131] : memref<7936xi32, #tpu.memory_space<vmem>> -> memref<7920xi32, #tpu.memory_space<vmem>>
      %gather3A_133 = tpu.vector_load_idx %gather3A_132[%add3A_109] : memref<7920xi32, #tpu.memory_space<vmem>>[vector<16xi32>], vector<16xi32>,
      %bitcast3A_134 = vector.bitcast %gather3A_130 : vector<16xi32> to vector<32xbf16>
      %bitcast3A_135 = vector.bitcast %gather3A_133 : vector<16xi32> to vector<32xbf16>
      %mul3A_136 = arith.mulf %bitcast3A_134, %bitcast3A_135 : vector<32xbf16>
      %mul3A_137 = arith.mulf %mul3A_136, %pack3A_113 : vector<32xbf16>
      %unpack3A_138 = tpu.unpack_subelements %mul3A_137, 0 {pack_format = #tpu.pack_format<interleaved>} : vector<32xbf16> -> vector<16xf32>
      %unpack3A_139 = tpu.unpack_subelements %mul3A_137, 1 {pack_format = #tpu.pack_format<interleaved>} : vector<32xbf16> -> vector<16xf32>
      %add3A_140 = arith.addf %add3A_100, %unpack3A_138 : vector<16xf32>
      %add3A_141 = arith.addf %add3A_101, %unpack3A_139 : vector<16xf32>
      %slice3A_142 = vector.extract_strided_slice %mul3A_56 {offsets = [2], sizes = [1], strides = [1]} : vector<16xi32> to vector<1xi32>
      %squeeze3A_143 = vector.extract %slice3A_142[0] : i32 from vector<1xi32>
      %broadcast_in_dim3A_144 = vector.broadcast %squeeze3A_143 : i32 to vector<16xi32>
      %add3A_145 = arith.addi %broadcast_in_dim3A_144, %iota3A : vector<16xi32>
      %slice3A_146 = vector.extract_strided_slice %mul3A_64 {offsets = [2], sizes = [1], strides = [1]} : vector<16xi32> to vector<1xi32>
      %squeeze3A_147 = vector.extract %slice3A_146[0] : i32 from vector<1xi32>
      %broadcast_in_dim3A_148 = vector.broadcast %squeeze3A_147 : i32 to vector<16xi32>
      %add3A_149 = arith.addi %broadcast_in_dim3A_148, %iota3A : vector<16xi32>
      %slice3A_150 = vector.extract_strided_slice %get3A_51 {offsets = [2], sizes = [1], strides = [1]} : vector<16xf32> to vector<1xf32>
      %squeeze3A_151 = vector.extract %slice3A_150[0] : f32 from vector<1xf32>
      %broadcast_in_dim3A_152 = vector.broadcast %squeeze3A_151 : f32 to vector<16xf32>
      %pack3A_153 = tpu.pack_subelements %broadcast_in_dim3A_152, %broadcast_in_dim3A_152 {pack_format = #tpu.pack_format<interleaved>, positions = array<i32: 0, 1>} : vector<16xf32>, vector<16xf32> -> vector<32xbf16>
      %gather3A_154 = arith.constant 0 : i32
      %gather3A_155 = tpu.memref_slice %arg8[%gather3A_154] : memref<7936xi32, #tpu.memory_space<vmem>> -> memref<7936xi32, #tpu.memory_space<vmem>>
      %gather3A_156 = tpu.vector_load_idx %gather3A_155[%add3A_145] : memref<7936xi32, #tpu.memory_space<vmem>>[vector<16xi32>], vector<16xi32>,
      %gather3A_157 = arith.constant 0 : i32
      %gather3A_158 = tpu.memref_slice %arg9[%gather3A_157] : memref<7936xi32, #tpu.memory_space<vmem>> -> memref<7936xi32, #tpu.memory_space<vmem>>
      %gather3A_159 = tpu.vector_load_idx %gather3A_158[%add3A_149] : memref<7936xi32, #tpu.memory_space<vmem>>[vector<16xi32>], vector<16xi32>,
      %bitcast3A_160 = vector.bitcast %gather3A_156 : vector<16xi32> to vector<32xbf16>
      %bitcast3A_161 = vector.bitcast %gather3A_159 : vector<16xi32> to vector<32xbf16>
      %mul3A_162 = arith.mulf %bitcast3A_160, %bitcast3A_161 : vector<32xbf16>
      %mul3A_163 = arith.mulf %mul3A_162, %pack3A_153 : vector<32xbf16>
      %unpack3A_164 = tpu.unpack_subelements %mul3A_163, 0 {pack_format = #tpu.pack_format<interleaved>} : vector<32xbf16> -> vector<16xf32>
      %unpack3A_165 = tpu.unpack_subelements %mul3A_163, 1 {pack_format = #tpu.pack_format<interleaved>} : vector<32xbf16> -> vector<16xf32>
      %add3A_166 = arith.addf %add3A_126, %unpack3A_164 : vector<16xf32>
      %add3A_167 = arith.addf %add3A_127, %unpack3A_165 : vector<16xf32>
      %gather3A_168 = arith.constant 16 : i32
      %gather3A_169 = tpu.memref_slice %arg8[%gather3A_168] : memref<7936xi32, #tpu.memory_space<vmem>> -> memref<7920xi32, #tpu.memory_space<vmem>>
      %gather3A_170 = tpu.vector_load_idx %gather3A_169[%add3A_145] : memref<7920xi32, #tpu.memory_space<vmem>>[vector<16xi32>], vector<16xi32>,
      %gather3A_171 = arith.constant 16 : i32
      %gather3A_172 = tpu.memref_slice %arg9[%gather3A_171] : memref<7936xi32, #tpu.memory_space<vmem>> -> memref<7920xi32, #tpu.memory_space<vmem>>
      %gather3A_173 = tpu.vector_load_idx %gather3A_172[%add3A_149] : memref<7920xi32, #tpu.memory_space<vmem>>[vector<16xi32>], vector<16xi32>,
      %bitcast3A_174 = vector.bitcast %gather3A_170 : vector<16xi32> to vector<32xbf16>
      %bitcast3A_175 = vector.bitcast %gather3A_173 : vector<16xi32> to vector<32xbf16>
      %mul3A_176 = arith.mulf %bitcast3A_174, %bitcast3A_175 : vector<32xbf16>
      %mul3A_177 = arith.mulf %mul3A_176, %pack3A_153 : vector<32xbf16>
      %unpack3A_178 = tpu.unpack_subelements %mul3A_177, 0 {pack_format = #tpu.pack_format<interleaved>} : vector<32xbf16> -> vector<16xf32>
      %unpack3A_179 = tpu.unpack_subelements %mul3A_177, 1 {pack_format = #tpu.pack_format<interleaved>} : vector<32xbf16> -> vector<16xf32>
      %add3A_180 = arith.addf %add3A_140, %unpack3A_178 : vector<16xf32>
      %add3A_181 = arith.addf %add3A_141, %unpack3A_179 : vector<16xf32>
      %slice3A_182 = vector.extract_strided_slice %mul3A_56 {offsets = [3], sizes = [1], strides = [1]} : vector<16xi32> to vector<1xi32>
      %squeeze3A_183 = vector.extract %slice3A_182[0] : i32 from vector<1xi32>
      %broadcast_in_dim3A_184 = vector.broadcast %squeeze3A_183 : i32 to vector<16xi32>
      %add3A_185 = arith.addi %broadcast_in_dim3A_184, %iota3A : vector<16xi32>
      %slice3A_186 = vector.extract_strided_slice %mul3A_64 {offsets = [3], sizes = [1], strides = [1]} : vector<16xi32> to vector<1xi32>
      %squeeze3A_187 = vector.extract %slice3A_186[0] : i32 from vector<1xi32>
      %broadcast_in_dim3A_188 = vector.broadcast %squeeze3A_187 : i32 to vector<16xi32>
      %add3A_189 = arith.addi %broadcast_in_dim3A_188, %iota3A : vector<16xi32>
      %slice3A_190 = vector.extract_strided_slice %get3A_51 {offsets = [3], sizes = [1], strides = [1]} : vector<16xf32> to vector<1xf32>
      %squeeze3A_191 = vector.extract %slice3A_190[0] : f32 from vector<1xf32>
      %broadcast_in_dim3A_192 = vector.broadcast %squeeze3A_191 : f32 to vector<16xf32>
      %pack3A_193 = tpu.pack_subelements %broadcast_in_dim3A_192, %broadcast_in_dim3A_192 {pack_format = #tpu.pack_format<interleaved>, positions = array<i32: 0, 1>} : vector<16xf32>, vector<16xf32> -> vector<32xbf16>
      %gather3A_194 = arith.constant 0 : i32
      %gather3A_195 = tpu.memref_slice %arg8[%gather3A_194] : memref<7936xi32, #tpu.memory_space<vmem>> -> memref<7936xi32, #tpu.memory_space<vmem>>
      %gather3A_196 = tpu.vector_load_idx %gather3A_195[%add3A_185] : memref<7936xi32, #tpu.memory_space<vmem>>[vector<16xi32>], vector<16xi32>,
      %gather3A_197 = arith.constant 0 : i32
      %gather3A_198 = tpu.memref_slice %arg9[%gather3A_197] : memref<7936xi32, #tpu.memory_space<vmem>> -> memref<7936xi32, #tpu.memory_space<vmem>>
      %gather3A_199 = tpu.vector_load_idx %gather3A_198[%add3A_189] : memref<7936xi32, #tpu.memory_space<vmem>>[vector<16xi32>], vector<16xi32>,
      %bitcast3A_200 = vector.bitcast %gather3A_196 : vector<16xi32> to vector<32xbf16>
      %bitcast3A_201 = vector.bitcast %gather3A_199 : vector<16xi32> to vector<32xbf16>
      %mul3A_202 = arith.mulf %bitcast3A_200, %bitcast3A_201 : vector<32xbf16>
      %mul3A_203 = arith.mulf %mul3A_202, %pack3A_193 : vector<32xbf16>
      %unpack3A_204 = tpu.unpack_subelements %mul3A_203, 0 {pack_format = #tpu.pack_format<interleaved>} : vector<32xbf16> -> vector<16xf32>
      %unpack3A_205 = tpu.unpack_subelements %mul3A_203, 1 {pack_format = #tpu.pack_format<interleaved>} : vector<32xbf16> -> vector<16xf32>
      %add3A_206 = arith.addf %add3A_166, %unpack3A_204 : vector<16xf32>
      %add3A_207 = arith.addf %add3A_167, %unpack3A_205 : vector<16xf32>
      %gather3A_208 = arith.constant 16 : i32
      %gather3A_209 = tpu.memref_slice %arg8[%gather3A_208] : memref<7936xi32, #tpu.memory_space<vmem>> -> memref<7920xi32, #tpu.memory_space<vmem>>
      %gather3A_210 = tpu.vector_load_idx %gather3A_209[%add3A_185] : memref<7920xi32, #tpu.memory_space<vmem>>[vector<16xi32>], vector<16xi32>,
      %gather3A_211 = arith.constant 16 : i32
      %gather3A_212 = tpu.memref_slice %arg9[%gather3A_211] : memref<7936xi32, #tpu.memory_space<vmem>> -> memref<7920xi32, #tpu.memory_space<vmem>>
      %gather3A_213 = tpu.vector_load_idx %gather3A_212[%add3A_189] : memref<7920xi32, #tpu.memory_space<vmem>>[vector<16xi32>], vector<16xi32>,
      %bitcast3A_214 = vector.bitcast %gather3A_210 : vector<16xi32> to vector<32xbf16>
      %bitcast3A_215 = vector.bitcast %gather3A_213 : vector<16xi32> to vector<32xbf16>
      %mul3A_216 = arith.mulf %bitcast3A_214, %bitcast3A_215 : vector<32xbf16>
      %mul3A_217 = arith.mulf %mul3A_216, %pack3A_193 : vector<32xbf16>
      %unpack3A_218 = tpu.unpack_subelements %mul3A_217, 0 {pack_format = #tpu.pack_format<interleaved>} : vector<32xbf16> -> vector<16xf32>
      %unpack3A_219 = tpu.unpack_subelements %mul3A_217, 1 {pack_format = #tpu.pack_format<interleaved>} : vector<32xbf16> -> vector<16xf32>
      %add3A_220 = arith.addf %add3A_180, %unpack3A_218 : vector<16xf32>
      %add3A_221 = arith.addf %add3A_181, %unpack3A_219 : vector<16xf32>
      %slice3A_222 = vector.extract_strided_slice %mul3A_56 {offsets = [4], sizes = [1], strides = [1]} : vector<16xi32> to vector<1xi32>
      %squeeze3A_223 = vector.extract %slice3A_222[0] : i32 from vector<1xi32>
      %broadcast_in_dim3A_224 = vector.broadcast %squeeze3A_223 : i32 to vector<16xi32>
      %add3A_225 = arith.addi %broadcast_in_dim3A_224, %iota3A : vector<16xi32>
      %slice3A_226 = vector.extract_strided_slice %mul3A_64 {offsets = [4], sizes = [1], strides = [1]} : vector<16xi32> to vector<1xi32>
      %squeeze3A_227 = vector.extract %slice3A_226[0] : i32 from vector<1xi32>
      %broadcast_in_dim3A_228 = vector.broadcast %squeeze3A_227 : i32 to vector<16xi32>
      %add3A_229 = arith.addi %broadcast_in_dim3A_228, %iota3A : vector<16xi32>
      %slice3A_230 = vector.extract_strided_slice %get3A_51 {offsets = [4], sizes = [1], strides = [1]} : vector<16xf32> to vector<1xf32>
      %squeeze3A_231 = vector.extract %slice3A_230[0] : f32 from vector<1xf32>
      %broadcast_in_dim3A_232 = vector.broadcast %squeeze3A_231 : f32 to vector<16xf32>
      %pack3A_233 = tpu.pack_subelements %broadcast_in_dim3A_232, %broadcast_in_dim3A_232 {pack_format = #tpu.pack_format<interleaved>, positions = array<i32: 0, 1>} : vector<16xf32>, vector<16xf32> -> vector<32xbf16>
      %gather3A_234 = arith.constant 0 : i32
      %gather3A_235 = tpu.memref_slice %arg8[%gather3A_234] : memref<7936xi32, #tpu.memory_space<vmem>> -> memref<7936xi32, #tpu.memory_space<vmem>>
      %gather3A_236 = tpu.vector_load_idx %gather3A_235[%add3A_225] : memref<7936xi32, #tpu.memory_space<vmem>>[vector<16xi32>], vector<16xi32>,
      %gather3A_237 = arith.constant 0 : i32
      %gather3A_238 = tpu.memref_slice %arg9[%gather3A_237] : memref<7936xi32, #tpu.memory_space<vmem>> -> memref<7936xi32, #tpu.memory_space<vmem>>
      %gather3A_239 = tpu.vector_load_idx %gather3A_238[%add3A_229] : memref<7936xi32, #tpu.memory_space<vmem>>[vector<16xi32>], vector<16xi32>,
      %bitcast3A_240 = vector.bitcast %gather3A_236 : vector<16xi32> to vector<32xbf16>
      %bitcast3A_241 = vector.bitcast %gather3A_239 : vector<16xi32> to vector<32xbf16>
      %mul3A_242 = arith.mulf %bitcast3A_240, %bitcast3A_241 : vector<32xbf16>
      %mul3A_243 = arith.mulf %mul3A_242, %pack3A_233 : vector<32xbf16>
      %unpack3A_244 = tpu.unpack_subelements %mul3A_243, 0 {pack_format = #tpu.pack_format<interleaved>} : vector<32xbf16> -> vector<16xf32>
      %unpack3A_245 = tpu.unpack_subelements %mul3A_243, 1 {pack_format = #tpu.pack_format<interleaved>} : vector<32xbf16> -> vector<16xf32>
      %add3A_246 = arith.addf %add3A_206, %unpack3A_244 : vector<16xf32>
      %add3A_247 = arith.addf %add3A_207, %unpack3A_245 : vector<16xf32>
      %gather3A_248 = arith.constant 16 : i32
      %gather3A_249 = tpu.memref_slice %arg8[%gather3A_248] : memref<7936xi32, #tpu.memory_space<vmem>> -> memref<7920xi32, #tpu.memory_space<vmem>>
      %gather3A_250 = tpu.vector_load_idx %gather3A_249[%add3A_225] : memref<7920xi32, #tpu.memory_space<vmem>>[vector<16xi32>], vector<16xi32>,
      %gather3A_251 = arith.constant 16 : i32
      %gather3A_252 = tpu.memref_slice %arg9[%gather3A_251] : memref<7936xi32, #tpu.memory_space<vmem>> -> memref<7920xi32, #tpu.memory_space<vmem>>
      %gather3A_253 = tpu.vector_load_idx %gather3A_252[%add3A_229] : memref<7920xi32, #tpu.memory_space<vmem>>[vector<16xi32>], vector<16xi32>,
      %bitcast3A_254 = vector.bitcast %gather3A_250 : vector<16xi32> to vector<32xbf16>
      %bitcast3A_255 = vector.bitcast %gather3A_253 : vector<16xi32> to vector<32xbf16>
      %mul3A_256 = arith.mulf %bitcast3A_254, %bitcast3A_255 : vector<32xbf16>
      %mul3A_257 = arith.mulf %mul3A_256, %pack3A_233 : vector<32xbf16>
      %unpack3A_258 = tpu.unpack_subelements %mul3A_257, 0 {pack_format = #tpu.pack_format<interleaved>} : vector<32xbf16> -> vector<16xf32>
      %unpack3A_259 = tpu.unpack_subelements %mul3A_257, 1 {pack_format = #tpu.pack_format<interleaved>} : vector<32xbf16> -> vector<16xf32>
      %add3A_260 = arith.addf %add3A_220, %unpack3A_258 : vector<16xf32>
      %add3A_261 = arith.addf %add3A_221, %unpack3A_259 : vector<16xf32>
      %slice3A_262 = vector.extract_strided_slice %mul3A_56 {offsets = [5], sizes = [1], strides = [1]} : vector<16xi32> to vector<1xi32>
      %squeeze3A_263 = vector.extract %slice3A_262[0] : i32 from vector<1xi32>
      %broadcast_in_dim3A_264 = vector.broadcast %squeeze3A_263 : i32 to vector<16xi32>
      %add3A_265 = arith.addi %broadcast_in_dim3A_264, %iota3A : vector<16xi32>
      %slice3A_266 = vector.extract_strided_slice %mul3A_64 {offsets = [5], sizes = [1], strides = [1]} : vector<16xi32> to vector<1xi32>
      %squeeze3A_267 = vector.extract %slice3A_266[0] : i32 from vector<1xi32>
      %broadcast_in_dim3A_268 = vector.broadcast %squeeze3A_267 : i32 to vector<16xi32>
      %add3A_269 = arith.addi %broadcast_in_dim3A_268, %iota3A : vector<16xi32>
      %slice3A_270 = vector.extract_strided_slice %get3A_51 {offsets = [5], sizes = [1], strides = [1]} : vector<16xf32> to vector<1xf32>
      %squeeze3A_271 = vector.extract %slice3A_270[0] : f32 from vector<1xf32>
      %broadcast_in_dim3A_272 = vector.broadcast %squeeze3A_271 : f32 to vector<16xf32>
      %pack3A_273 = tpu.pack_subelements %broadcast_in_dim3A_272, %broadcast_in_dim3A_272 {pack_format = #tpu.pack_format<interleaved>, positions = array<i32: 0, 1>} : vector<16xf32>, vector<16xf32> -> vector<32xbf16>
      %gather3A_274 = arith.constant 0 : i32
      %gather3A_275 = tpu.memref_slice %arg8[%gather3A_274] : memref<7936xi32, #tpu.memory_space<vmem>> -> memref<7936xi32, #tpu.memory_space<vmem>>
      %gather3A_276 = tpu.vector_load_idx %gather3A_275[%add3A_265] : memref<7936xi32, #tpu.memory_space<vmem>>[vector<16xi32>], vector<16xi32>,
      %gather3A_277 = arith.constant 0 : i32
      %gather3A_278 = tpu.memref_slice %arg9[%gather3A_277] : memref<7936xi32, #tpu.memory_space<vmem>> -> memref<7936xi32, #tpu.memory_space<vmem>>
      %gather3A_279 = tpu.vector_load_idx %gather3A_278[%add3A_269] : memref<7936xi32, #tpu.memory_space<vmem>>[vector<16xi32>], vector<16xi32>,
      %bitcast3A_280 = vector.bitcast %gather3A_276 : vector<16xi32> to vector<32xbf16>
      %bitcast3A_281 = vector.bitcast %gather3A_279 : vector<16xi32> to vector<32xbf16>
      %mul3A_282 = arith.mulf %bitcast3A_280, %bitcast3A_281 : vector<32xbf16>
      %mul3A_283 = arith.mulf %mul3A_282, %pack3A_273 : vector<32xbf16>
      %unpack3A_284 = tpu.unpack_subelements %mul3A_283, 0 {pack_format = #tpu.pack_format<interleaved>} : vector<32xbf16> -> vector<16xf32>
      %unpack3A_285 = tpu.unpack_subelements %mul3A_283, 1 {pack_format = #tpu.pack_format<interleaved>} : vector<32xbf16> -> vector<16xf32>
      %add3A_286 = arith.addf %add3A_246, %unpack3A_284 : vector<16xf32>
      %add3A_287 = arith.addf %add3A_247, %unpack3A_285 : vector<16xf32>
      %gather3A_288 = arith.constant 16 : i32
      %gather3A_289 = tpu.memref_slice %arg8[%gather3A_288] : memref<7936xi32, #tpu.memory_space<vmem>> -> memref<7920xi32, #tpu.memory_space<vmem>>
      %gather3A_290 = tpu.vector_load_idx %gather3A_289[%add3A_265] : memref<7920xi32, #tpu.memory_space<vmem>>[vector<16xi32>], vector<16xi32>,
      %gather3A_291 = arith.constant 16 : i32
      %gather3A_292 = tpu.memref_slice %arg9[%gather3A_291] : memref<7936xi32, #tpu.memory_space<vmem>> -> memref<7920xi32, #tpu.memory_space<vmem>>
      %gather3A_293 = tpu.vector_load_idx %gather3A_292[%add3A_269] : memref<7920xi32, #tpu.memory_space<vmem>>[vector<16xi32>], vector<16xi32>,
      %bitcast3A_294 = vector.bitcast %gather3A_290 : vector<16xi32> to vector<32xbf16>
      %bitcast3A_295 = vector.bitcast %gather3A_293 : vector<16xi32> to vector<32xbf16>
      %mul3A_296 = arith.mulf %bitcast3A_294, %bitcast3A_295 : vector<32xbf16>
      %mul3A_297 = arith.mulf %mul3A_296, %pack3A_273 : vector<32xbf16>
      %unpack3A_298 = tpu.unpack_subelements %mul3A_297, 0 {pack_format = #tpu.pack_format<interleaved>} : vector<32xbf16> -> vector<16xf32>
      %unpack3A_299 = tpu.unpack_subelements %mul3A_297, 1 {pack_format = #tpu.pack_format<interleaved>} : vector<32xbf16> -> vector<16xf32>
      %add3A_300 = arith.addf %add3A_260, %unpack3A_298 : vector<16xf32>
      %add3A_301 = arith.addf %add3A_261, %unpack3A_299 : vector<16xf32>
      %slice3A_302 = vector.extract_strided_slice %mul3A_56 {offsets = [6], sizes = [1], strides = [1]} : vector<16xi32> to vector<1xi32>
      %squeeze3A_303 = vector.extract %slice3A_302[0] : i32 from vector<1xi32>
      %broadcast_in_dim3A_304 = vector.broadcast %squeeze3A_303 : i32 to vector<16xi32>
      %add3A_305 = arith.addi %broadcast_in_dim3A_304, %iota3A : vector<16xi32>
      %slice3A_306 = vector.extract_strided_slice %mul3A_64 {offsets = [6], sizes = [1], strides = [1]} : vector<16xi32> to vector<1xi32>
      %squeeze3A_307 = vector.extract %slice3A_306[0] : i32 from vector<1xi32>
      %broadcast_in_dim3A_308 = vector.broadcast %squeeze3A_307 : i32 to vector<16xi32>
      %add3A_309 = arith.addi %broadcast_in_dim3A_308, %iota3A : vector<16xi32>
      %slice3A_310 = vector.extract_strided_slice %get3A_51 {offsets = [6], sizes = [1], strides = [1]} : vector<16xf32> to vector<1xf32>
      %squeeze3A_311 = vector.extract %slice3A_310[0] : f32 from vector<1xf32>
      %broadcast_in_dim3A_312 = vector.broadcast %squeeze3A_311 : f32 to vector<16xf32>
      %pack3A_313 = tpu.pack_subelements %broadcast_in_dim3A_312, %broadcast_in_dim3A_312 {pack_format = #tpu.pack_format<interleaved>, positions = array<i32: 0, 1>} : vector<16xf32>, vector<16xf32> -> vector<32xbf16>
      %gather3A_314 = arith.constant 0 : i32
      %gather3A_315 = tpu.memref_slice %arg8[%gather3A_314] : memref<7936xi32, #tpu.memory_space<vmem>> -> memref<7936xi32, #tpu.memory_space<vmem>>
      %gather3A_316 = tpu.vector_load_idx %gather3A_315[%add3A_305] : memref<7936xi32, #tpu.memory_space<vmem>>[vector<16xi32>], vector<16xi32>,
      %gather3A_317 = arith.constant 0 : i32
      %gather3A_318 = tpu.memref_slice %arg9[%gather3A_317] : memref<7936xi32, #tpu.memory_space<vmem>> -> memref<7936xi32, #tpu.memory_space<vmem>>
      %gather3A_319 = tpu.vector_load_idx %gather3A_318[%add3A_309] : memref<7936xi32, #tpu.memory_space<vmem>>[vector<16xi32>], vector<16xi32>,
      %bitcast3A_320 = vector.bitcast %gather3A_316 : vector<16xi32> to vector<32xbf16>
      %bitcast3A_321 = vector.bitcast %gather3A_319 : vector<16xi32> to vector<32xbf16>
      %mul3A_322 = arith.mulf %bitcast3A_320, %bitcast3A_321 : vector<32xbf16>
      %mul3A_323 = arith.mulf %mul3A_322, %pack3A_313 : vector<32xbf16>
      %unpack3A_324 = tpu.unpack_subelements %mul3A_323, 0 {pack_format = #tpu.pack_format<interleaved>} : vector<32xbf16> -> vector<16xf32>
      %unpack3A_325 = tpu.unpack_subelements %mul3A_323, 1 {pack_format = #tpu.pack_format<interleaved>} : vector<32xbf16> -> vector<16xf32>
      %add3A_326 = arith.addf %add3A_286, %unpack3A_324 : vector<16xf32>
      %add3A_327 = arith.addf %add3A_287, %unpack3A_325 : vector<16xf32>
      %gather3A_328 = arith.constant 16 : i32
      %gather3A_329 = tpu.memref_slice %arg8[%gather3A_328] : memref<7936xi32, #tpu.memory_space<vmem>> -> memref<7920xi32, #tpu.memory_space<vmem>>
      %gather3A_330 = tpu.vector_load_idx %gather3A_329[%add3A_305] : memref<7920xi32, #tpu.memory_space<vmem>>[vector<16xi32>], vector<16xi32>,
      %gather3A_331 = arith.constant 16 : i32
      %gather3A_332 = tpu.memref_slice %arg9[%gather3A_331] : memref<7936xi32, #tpu.memory_space<vmem>> -> memref<7920xi32, #tpu.memory_space<vmem>>
      %gather3A_333 = tpu.vector_load_idx %gather3A_332[%add3A_309] : memref<7920xi32, #tpu.memory_space<vmem>>[vector<16xi32>], vector<16xi32>,
      %bitcast3A_334 = vector.bitcast %gather3A_330 : vector<16xi32> to vector<32xbf16>
      %bitcast3A_335 = vector.bitcast %gather3A_333 : vector<16xi32> to vector<32xbf16>
      %mul3A_336 = arith.mulf %bitcast3A_334, %bitcast3A_335 : vector<32xbf16>
      %mul3A_337 = arith.mulf %mul3A_336, %pack3A_313 : vector<32xbf16>
      %unpack3A_338 = tpu.unpack_subelements %mul3A_337, 0 {pack_format = #tpu.pack_format<interleaved>} : vector<32xbf16> -> vector<16xf32>
      %unpack3A_339 = tpu.unpack_subelements %mul3A_337, 1 {pack_format = #tpu.pack_format<interleaved>} : vector<32xbf16> -> vector<16xf32>
      %add3A_340 = arith.addf %add3A_300, %unpack3A_338 : vector<16xf32>
      %add3A_341 = arith.addf %add3A_301, %unpack3A_339 : vector<16xf32>
      %slice3A_342 = vector.extract_strided_slice %mul3A_56 {offsets = [7], sizes = [1], strides = [1]} : vector<16xi32> to vector<1xi32>
      %squeeze3A_343 = vector.extract %slice3A_342[0] : i32 from vector<1xi32>
      %broadcast_in_dim3A_344 = vector.broadcast %squeeze3A_343 : i32 to vector<16xi32>
      %add3A_345 = arith.addi %broadcast_in_dim3A_344, %iota3A : vector<16xi32>
      %slice3A_346 = vector.extract_strided_slice %mul3A_64 {offsets = [7], sizes = [1], strides = [1]} : vector<16xi32> to vector<1xi32>
      %squeeze3A_347 = vector.extract %slice3A_346[0] : i32 from vector<1xi32>
      %broadcast_in_dim3A_348 = vector.broadcast %squeeze3A_347 : i32 to vector<16xi32>
      %add3A_349 = arith.addi %broadcast_in_dim3A_348, %iota3A : vector<16xi32>
      %slice3A_350 = vector.extract_strided_slice %get3A_51 {offsets = [7], sizes = [1], strides = [1]} : vector<16xf32> to vector<1xf32>
      %squeeze3A_351 = vector.extract %slice3A_350[0] : f32 from vector<1xf32>
      %broadcast_in_dim3A_352 = vector.broadcast %squeeze3A_351 : f32 to vector<16xf32>
      %pack3A_353 = tpu.pack_subelements %broadcast_in_dim3A_352, %broadcast_in_dim3A_352 {pack_format = #tpu.pack_format<interleaved>, positions = array<i32: 0, 1>} : vector<16xf32>, vector<16xf32> -> vector<32xbf16>
      %gather3A_354 = arith.constant 0 : i32
      %gather3A_355 = tpu.memref_slice %arg8[%gather3A_354] : memref<7936xi32, #tpu.memory_space<vmem>> -> memref<7936xi32, #tpu.memory_space<vmem>>
      %gather3A_356 = tpu.vector_load_idx %gather3A_355[%add3A_345] : memref<7936xi32, #tpu.memory_space<vmem>>[vector<16xi32>], vector<16xi32>,
      %gather3A_357 = arith.constant 0 : i32
      %gather3A_358 = tpu.memref_slice %arg9[%gather3A_357] : memref<7936xi32, #tpu.memory_space<vmem>> -> memref<7936xi32, #tpu.memory_space<vmem>>
      %gather3A_359 = tpu.vector_load_idx %gather3A_358[%add3A_349] : memref<7936xi32, #tpu.memory_space<vmem>>[vector<16xi32>], vector<16xi32>,
      %bitcast3A_360 = vector.bitcast %gather3A_356 : vector<16xi32> to vector<32xbf16>
      %bitcast3A_361 = vector.bitcast %gather3A_359 : vector<16xi32> to vector<32xbf16>
      %mul3A_362 = arith.mulf %bitcast3A_360, %bitcast3A_361 : vector<32xbf16>
      %mul3A_363 = arith.mulf %mul3A_362, %pack3A_353 : vector<32xbf16>
      %unpack3A_364 = tpu.unpack_subelements %mul3A_363, 0 {pack_format = #tpu.pack_format<interleaved>} : vector<32xbf16> -> vector<16xf32>
      %unpack3A_365 = tpu.unpack_subelements %mul3A_363, 1 {pack_format = #tpu.pack_format<interleaved>} : vector<32xbf16> -> vector<16xf32>
      %add3A_366 = arith.addf %add3A_326, %unpack3A_364 : vector<16xf32>
      %add3A_367 = arith.addf %add3A_327, %unpack3A_365 : vector<16xf32>
      %gather3A_368 = arith.constant 16 : i32
      %gather3A_369 = tpu.memref_slice %arg8[%gather3A_368] : memref<7936xi32, #tpu.memory_space<vmem>> -> memref<7920xi32, #tpu.memory_space<vmem>>
      %gather3A_370 = tpu.vector_load_idx %gather3A_369[%add3A_345] : memref<7920xi32, #tpu.memory_space<vmem>>[vector<16xi32>], vector<16xi32>,
      %gather3A_371 = arith.constant 16 : i32
      %gather3A_372 = tpu.memref_slice %arg9[%gather3A_371] : memref<7936xi32, #tpu.memory_space<vmem>> -> memref<7920xi32, #tpu.memory_space<vmem>>
      %gather3A_373 = tpu.vector_load_idx %gather3A_372[%add3A_349] : memref<7920xi32, #tpu.memory_space<vmem>>[vector<16xi32>], vector<16xi32>,
      %bitcast3A_374 = vector.bitcast %gather3A_370 : vector<16xi32> to vector<32xbf16>
      %bitcast3A_375 = vector.bitcast %gather3A_373 : vector<16xi32> to vector<32xbf16>
      %mul3A_376 = arith.mulf %bitcast3A_374, %bitcast3A_375 : vector<32xbf16>
      %mul3A_377 = arith.mulf %mul3A_376, %pack3A_353 : vector<32xbf16>
      %unpack3A_378 = tpu.unpack_subelements %mul3A_377, 0 {pack_format = #tpu.pack_format<interleaved>} : vector<32xbf16> -> vector<16xf32>
      %unpack3A_379 = tpu.unpack_subelements %mul3A_377, 1 {pack_format = #tpu.pack_format<interleaved>} : vector<32xbf16> -> vector<16xf32>
      %add3A_380 = arith.addf %add3A_340, %unpack3A_378 : vector<16xf32>
      %add3A_381 = arith.addf %add3A_341, %unpack3A_379 : vector<16xf32>
      %slice3A_382 = vector.extract_strided_slice %mul3A_56 {offsets = [8], sizes = [1], strides = [1]} : vector<16xi32> to vector<1xi32>
      %squeeze3A_383 = vector.extract %slice3A_382[0] : i32 from vector<1xi32>
      %broadcast_in_dim3A_384 = vector.broadcast %squeeze3A_383 : i32 to vector<16xi32>
      %add3A_385 = arith.addi %broadcast_in_dim3A_384, %iota3A : vector<16xi32>
      %slice3A_386 = vector.extract_strided_slice %mul3A_64 {offsets = [8], sizes = [1], strides = [1]} : vector<16xi32> to vector<1xi32>
      %squeeze3A_387 = vector.extract %slice3A_386[0] : i32 from vector<1xi32>
      %broadcast_in_dim3A_388 = vector.broadcast %squeeze3A_387 : i32 to vector<16xi32>
      %add3A_389 = arith.addi %broadcast_in_dim3A_388, %iota3A : vector<16xi32>
      %slice3A_390 = vector.extract_strided_slice %get3A_51 {offsets = [8], sizes = [1], strides = [1]} : vector<16xf32> to vector<1xf32>
      %squeeze3A_391 = vector.extract %slice3A_390[0] : f32 from vector<1xf32>
      %broadcast_in_dim3A_392 = vector.broadcast %squeeze3A_391 : f32 to vector<16xf32>
      %pack3A_393 = tpu.pack_subelements %broadcast_in_dim3A_392, %broadcast_in_dim3A_392 {pack_format = #tpu.pack_format<interleaved>, positions = array<i32: 0, 1>} : vector<16xf32>, vector<16xf32> -> vector<32xbf16>
      %gather3A_394 = arith.constant 0 : i32
      %gather3A_395 = tpu.memref_slice %arg8[%gather3A_394] : memref<7936xi32, #tpu.memory_space<vmem>> -> memref<7936xi32, #tpu.memory_space<vmem>>
      %gather3A_396 = tpu.vector_load_idx %gather3A_395[%add3A_385] : memref<7936xi32, #tpu.memory_space<vmem>>[vector<16xi32>], vector<16xi32>,
      %gather3A_397 = arith.constant 0 : i32
      %gather3A_398 = tpu.memref_slice %arg9[%gather3A_397] : memref<7936xi32, #tpu.memory_space<vmem>> -> memref<7936xi32, #tpu.memory_space<vmem>>
      %gather3A_399 = tpu.vector_load_idx %gather3A_398[%add3A_389] : memref<7936xi32, #tpu.memory_space<vmem>>[vector<16xi32>], vector<16xi32>,
      %bitcast3A_400 = vector.bitcast %gather3A_396 : vector<16xi32> to vector<32xbf16>
      %bitcast3A_401 = vector.bitcast %gather3A_399 : vector<16xi32> to vector<32xbf16>
      %mul3A_402 = arith.mulf %bitcast3A_400, %bitcast3A_401 : vector<32xbf16>
      %mul3A_403 = arith.mulf %mul3A_402, %pack3A_393 : vector<32xbf16>
      %unpack3A_404 = tpu.unpack_subelements %mul3A_403, 0 {pack_format = #tpu.pack_format<interleaved>} : vector<32xbf16> -> vector<16xf32>
      %unpack3A_405 = tpu.unpack_subelements %mul3A_403, 1 {pack_format = #tpu.pack_format<interleaved>} : vector<32xbf16> -> vector<16xf32>
      %add3A_406 = arith.addf %add3A_366, %unpack3A_404 : vector<16xf32>
      %add3A_407 = arith.addf %add3A_367, %unpack3A_405 : vector<16xf32>
      %gather3A_408 = arith.constant 16 : i32
      %gather3A_409 = tpu.memref_slice %arg8[%gather3A_408] : memref<7936xi32, #tpu.memory_space<vmem>> -> memref<7920xi32, #tpu.memory_space<vmem>>
      %gather3A_410 = tpu.vector_load_idx %gather3A_409[%add3A_385] : memref<7920xi32, #tpu.memory_space<vmem>>[vector<16xi32>], vector<16xi32>,
      %gather3A_411 = arith.constant 16 : i32
      %gather3A_412 = tpu.memref_slice %arg9[%gather3A_411] : memref<7936xi32, #tpu.memory_space<vmem>> -> memref<7920xi32, #tpu.memory_space<vmem>>
      %gather3A_413 = tpu.vector_load_idx %gather3A_412[%add3A_389] : memref<7920xi32, #tpu.memory_space<vmem>>[vector<16xi32>], vector<16xi32>,
      %bitcast3A_414 = vector.bitcast %gather3A_410 : vector<16xi32> to vector<32xbf16>
      %bitcast3A_415 = vector.bitcast %gather3A_413 : vector<16xi32> to vector<32xbf16>
      %mul3A_416 = arith.mulf %bitcast3A_414, %bitcast3A_415 : vector<32xbf16>
      %mul3A_417 = arith.mulf %mul3A_416, %pack3A_393 : vector<32xbf16>
      %unpack3A_418 = tpu.unpack_subelements %mul3A_417, 0 {pack_format = #tpu.pack_format<interleaved>} : vector<32xbf16> -> vector<16xf32>
      %unpack3A_419 = tpu.unpack_subelements %mul3A_417, 1 {pack_format = #tpu.pack_format<interleaved>} : vector<32xbf16> -> vector<16xf32>
      %add3A_420 = arith.addf %add3A_380, %unpack3A_418 : vector<16xf32>
      %add3A_421 = arith.addf %add3A_381, %unpack3A_419 : vector<16xf32>
      %slice3A_422 = vector.extract_strided_slice %mul3A_56 {offsets = [9], sizes = [1], strides = [1]} : vector<16xi32> to vector<1xi32>
      %squeeze3A_423 = vector.extract %slice3A_422[0] : i32 from vector<1xi32>
      %broadcast_in_dim3A_424 = vector.broadcast %squeeze3A_423 : i32 to vector<16xi32>
      %add3A_425 = arith.addi %broadcast_in_dim3A_424, %iota3A : vector<16xi32>
      %slice3A_426 = vector.extract_strided_slice %mul3A_64 {offsets = [9], sizes = [1], strides = [1]} : vector<16xi32> to vector<1xi32>
      %squeeze3A_427 = vector.extract %slice3A_426[0] : i32 from vector<1xi32>
      %broadcast_in_dim3A_428 = vector.broadcast %squeeze3A_427 : i32 to vector<16xi32>
      %add3A_429 = arith.addi %broadcast_in_dim3A_428, %iota3A : vector<16xi32>
      %slice3A_430 = vector.extract_strided_slice %get3A_51 {offsets = [9], sizes = [1], strides = [1]} : vector<16xf32> to vector<1xf32>
      %squeeze3A_431 = vector.extract %slice3A_430[0] : f32 from vector<1xf32>
      %broadcast_in_dim3A_432 = vector.broadcast %squeeze3A_431 : f32 to vector<16xf32>
      %pack3A_433 = tpu.pack_subelements %broadcast_in_dim3A_432, %broadcast_in_dim3A_432 {pack_format = #tpu.pack_format<interleaved>, positions = array<i32: 0, 1>} : vector<16xf32>, vector<16xf32> -> vector<32xbf16>
      %gather3A_434 = arith.constant 0 : i32
      %gather3A_435 = tpu.memref_slice %arg8[%gather3A_434] : memref<7936xi32, #tpu.memory_space<vmem>> -> memref<7936xi32, #tpu.memory_space<vmem>>
      %gather3A_436 = tpu.vector_load_idx %gather3A_435[%add3A_425] : memref<7936xi32, #tpu.memory_space<vmem>>[vector<16xi32>], vector<16xi32>,
      %gather3A_437 = arith.constant 0 : i32
      %gather3A_438 = tpu.memref_slice %arg9[%gather3A_437] : memref<7936xi32, #tpu.memory_space<vmem>> -> memref<7936xi32, #tpu.memory_space<vmem>>
      %gather3A_439 = tpu.vector_load_idx %gather3A_438[%add3A_429] : memref<7936xi32, #tpu.memory_space<vmem>>[vector<16xi32>], vector<16xi32>,
      %bitcast3A_440 = vector.bitcast %gather3A_436 : vector<16xi32> to vector<32xbf16>
      %bitcast3A_441 = vector.bitcast %gather3A_439 : vector<16xi32> to vector<32xbf16>
      %mul3A_442 = arith.mulf %bitcast3A_440, %bitcast3A_441 : vector<32xbf16>
      %mul3A_443 = arith.mulf %mul3A_442, %pack3A_433 : vector<32xbf16>
      %unpack3A_444 = tpu.unpack_subelements %mul3A_443, 0 {pack_format = #tpu.pack_format<interleaved>} : vector<32xbf16> -> vector<16xf32>
      %unpack3A_445 = tpu.unpack_subelements %mul3A_443, 1 {pack_format = #tpu.pack_format<interleaved>} : vector<32xbf16> -> vector<16xf32>
      %add3A_446 = arith.addf %add3A_406, %unpack3A_444 : vector<16xf32>
      %add3A_447 = arith.addf %add3A_407, %unpack3A_445 : vector<16xf32>
      %gather3A_448 = arith.constant 16 : i32
      %gather3A_449 = tpu.memref_slice %arg8[%gather3A_448] : memref<7936xi32, #tpu.memory_space<vmem>> -> memref<7920xi32, #tpu.memory_space<vmem>>
      %gather3A_450 = tpu.vector_load_idx %gather3A_449[%add3A_425] : memref<7920xi32, #tpu.memory_space<vmem>>[vector<16xi32>], vector<16xi32>,
      %gather3A_451 = arith.constant 16 : i32
      %gather3A_452 = tpu.memref_slice %arg9[%gather3A_451] : memref<7936xi32, #tpu.memory_space<vmem>> -> memref<7920xi32, #tpu.memory_space<vmem>>
      %gather3A_453 = tpu.vector_load_idx %gather3A_452[%add3A_429] : memref<7920xi32, #tpu.memory_space<vmem>>[vector<16xi32>], vector<16xi32>,
      %bitcast3A_454 = vector.bitcast %gather3A_450 : vector<16xi32> to vector<32xbf16>
      %bitcast3A_455 = vector.bitcast %gather3A_453 : vector<16xi32> to vector<32xbf16>
      %mul3A_456 = arith.mulf %bitcast3A_454, %bitcast3A_455 : vector<32xbf16>
      %mul3A_457 = arith.mulf %mul3A_456, %pack3A_433 : vector<32xbf16>
      %unpack3A_458 = tpu.unpack_subelements %mul3A_457, 0 {pack_format = #tpu.pack_format<interleaved>} : vector<32xbf16> -> vector<16xf32>
      %unpack3A_459 = tpu.unpack_subelements %mul3A_457, 1 {pack_format = #tpu.pack_format<interleaved>} : vector<32xbf16> -> vector<16xf32>
      %add3A_460 = arith.addf %add3A_420, %unpack3A_458 : vector<16xf32>
      %add3A_461 = arith.addf %add3A_421, %unpack3A_459 : vector<16xf32>
      %slice3A_462 = vector.extract_strided_slice %mul3A_56 {offsets = [10], sizes = [1], strides = [1]} : vector<16xi32> to vector<1xi32>
      %squeeze3A_463 = vector.extract %slice3A_462[0] : i32 from vector<1xi32>
      %broadcast_in_dim3A_464 = vector.broadcast %squeeze3A_463 : i32 to vector<16xi32>
      %add3A_465 = arith.addi %broadcast_in_dim3A_464, %iota3A : vector<16xi32>
      %slice3A_466 = vector.extract_strided_slice %mul3A_64 {offsets = [10], sizes = [1], strides = [1]} : vector<16xi32> to vector<1xi32>
      %squeeze3A_467 = vector.extract %slice3A_466[0] : i32 from vector<1xi32>
      %broadcast_in_dim3A_468 = vector.broadcast %squeeze3A_467 : i32 to vector<16xi32>
      %add3A_469 = arith.addi %broadcast_in_dim3A_468, %iota3A : vector<16xi32>
      %slice3A_470 = vector.extract_strided_slice %get3A_51 {offsets = [10], sizes = [1], strides = [1]} : vector<16xf32> to vector<1xf32>
      %squeeze3A_471 = vector.extract %slice3A_470[0] : f32 from vector<1xf32>
      %broadcast_in_dim3A_472 = vector.broadcast %squeeze3A_471 : f32 to vector<16xf32>
      %pack3A_473 = tpu.pack_subelements %broadcast_in_dim3A_472, %broadcast_in_dim3A_472 {pack_format = #tpu.pack_format<interleaved>, positions = array<i32: 0, 1>} : vector<16xf32>, vector<16xf32> -> vector<32xbf16>
      %gather3A_474 = arith.constant 0 : i32
      %gather3A_475 = tpu.memref_slice %arg8[%gather3A_474] : memref<7936xi32, #tpu.memory_space<vmem>> -> memref<7936xi32, #tpu.memory_space<vmem>>
      %gather3A_476 = tpu.vector_load_idx %gather3A_475[%add3A_465] : memref<7936xi32, #tpu.memory_space<vmem>>[vector<16xi32>], vector<16xi32>,
      %gather3A_477 = arith.constant 0 : i32
      %gather3A_478 = tpu.memref_slice %arg9[%gather3A_477] : memref<7936xi32, #tpu.memory_space<vmem>> -> memref<7936xi32, #tpu.memory_space<vmem>>
      %gather3A_479 = tpu.vector_load_idx %gather3A_478[%add3A_469] : memref<7936xi32, #tpu.memory_space<vmem>>[vector<16xi32>], vector<16xi32>,
      %bitcast3A_480 = vector.bitcast %gather3A_476 : vector<16xi32> to vector<32xbf16>
      %bitcast3A_481 = vector.bitcast %gather3A_479 : vector<16xi32> to vector<32xbf16>
      %mul3A_482 = arith.mulf %bitcast3A_480, %bitcast3A_481 : vector<32xbf16>
      %mul3A_483 = arith.mulf %mul3A_482, %pack3A_473 : vector<32xbf16>
      %unpack3A_484 = tpu.unpack_subelements %mul3A_483, 0 {pack_format = #tpu.pack_format<interleaved>} : vector<32xbf16> -> vector<16xf32>
      %unpack3A_485 = tpu.unpack_subelements %mul3A_483, 1 {pack_format = #tpu.pack_format<interleaved>} : vector<32xbf16> -> vector<16xf32>
      %add3A_486 = arith.addf %add3A_446, %unpack3A_484 : vector<16xf32>
      %add3A_487 = arith.addf %add3A_447, %unpack3A_485 : vector<16xf32>
      %gather3A_488 = arith.constant 16 : i32
      %gather3A_489 = tpu.memref_slice %arg8[%gather3A_488] : memref<7936xi32, #tpu.memory_space<vmem>> -> memref<7920xi32, #tpu.memory_space<vmem>>
      %gather3A_490 = tpu.vector_load_idx %gather3A_489[%add3A_465] : memref<7920xi32, #tpu.memory_space<vmem>>[vector<16xi32>], vector<16xi32>,
      %gather3A_491 = arith.constant 16 : i32
      %gather3A_492 = tpu.memref_slice %arg9[%gather3A_491] : memref<7936xi32, #tpu.memory_space<vmem>> -> memref<7920xi32, #tpu.memory_space<vmem>>
      %gather3A_493 = tpu.vector_load_idx %gather3A_492[%add3A_469] : memref<7920xi32, #tpu.memory_space<vmem>>[vector<16xi32>], vector<16xi32>,
      %bitcast3A_494 = vector.bitcast %gather3A_490 : vector<16xi32> to vector<32xbf16>
      %bitcast3A_495 = vector.bitcast %gather3A_493 : vector<16xi32> to vector<32xbf16>
      %mul3A_496 = arith.mulf %bitcast3A_494, %bitcast3A_495 : vector<32xbf16>
      %mul3A_497 = arith.mulf %mul3A_496, %pack3A_473 : vector<32xbf16>
      %unpack3A_498 = tpu.unpack_subelements %mul3A_497, 0 {pack_format = #tpu.pack_format<interleaved>} : vector<32xbf16> -> vector<16xf32>
      %unpack3A_499 = tpu.unpack_subelements %mul3A_497, 1 {pack_format = #tpu.pack_format<interleaved>} : vector<32xbf16> -> vector<16xf32>
      %add3A_500 = arith.addf %add3A_460, %unpack3A_498 : vector<16xf32>
      %add3A_501 = arith.addf %add3A_461, %unpack3A_499 : vector<16xf32>
      %slice3A_502 = vector.extract_strided_slice %mul3A_56 {offsets = [11], sizes = [1], strides = [1]} : vector<16xi32> to vector<1xi32>
      %squeeze3A_503 = vector.extract %slice3A_502[0] : i32 from vector<1xi32>
      %broadcast_in_dim3A_504 = vector.broadcast %squeeze3A_503 : i32 to vector<16xi32>
      %add3A_505 = arith.addi %broadcast_in_dim3A_504, %iota3A : vector<16xi32>
      %slice3A_506 = vector.extract_strided_slice %mul3A_64 {offsets = [11], sizes = [1], strides = [1]} : vector<16xi32> to vector<1xi32>
      %squeeze3A_507 = vector.extract %slice3A_506[0] : i32 from vector<1xi32>
      %broadcast_in_dim3A_508 = vector.broadcast %squeeze3A_507 : i32 to vector<16xi32>
      %add3A_509 = arith.addi %broadcast_in_dim3A_508, %iota3A : vector<16xi32>
      %slice3A_510 = vector.extract_strided_slice %get3A_51 {offsets = [11], sizes = [1], strides = [1]} : vector<16xf32> to vector<1xf32>
      %squeeze3A_511 = vector.extract %slice3A_510[0] : f32 from vector<1xf32>
      %broadcast_in_dim3A_512 = vector.broadcast %squeeze3A_511 : f32 to vector<16xf32>
      %pack3A_513 = tpu.pack_subelements %broadcast_in_dim3A_512, %broadcast_in_dim3A_512 {pack_format = #tpu.pack_format<interleaved>, positions = array<i32: 0, 1>} : vector<16xf32>, vector<16xf32> -> vector<32xbf16>
      %gather3A_514 = arith.constant 0 : i32
      %gather3A_515 = tpu.memref_slice %arg8[%gather3A_514] : memref<7936xi32, #tpu.memory_space<vmem>> -> memref<7936xi32, #tpu.memory_space<vmem>>
      %gather3A_516 = tpu.vector_load_idx %gather3A_515[%add3A_505] : memref<7936xi32, #tpu.memory_space<vmem>>[vector<16xi32>], vector<16xi32>,
      %gather3A_517 = arith.constant 0 : i32
      %gather3A_518 = tpu.memref_slice %arg9[%gather3A_517] : memref<7936xi32, #tpu.memory_space<vmem>> -> memref<7936xi32, #tpu.memory_space<vmem>>
      %gather3A_519 = tpu.vector_load_idx %gather3A_518[%add3A_509] : memref<7936xi32, #tpu.memory_space<vmem>>[vector<16xi32>], vector<16xi32>,
      %bitcast3A_520 = vector.bitcast %gather3A_516 : vector<16xi32> to vector<32xbf16>
      %bitcast3A_521 = vector.bitcast %gather3A_519 : vector<16xi32> to vector<32xbf16>
      %mul3A_522 = arith.mulf %bitcast3A_520, %bitcast3A_521 : vector<32xbf16>
      %mul3A_523 = arith.mulf %mul3A_522, %pack3A_513 : vector<32xbf16>
      %unpack3A_524 = tpu.unpack_subelements %mul3A_523, 0 {pack_format = #tpu.pack_format<interleaved>} : vector<32xbf16> -> vector<16xf32>
      %unpack3A_525 = tpu.unpack_subelements %mul3A_523, 1 {pack_format = #tpu.pack_format<interleaved>} : vector<32xbf16> -> vector<16xf32>
      %add3A_526 = arith.addf %add3A_486, %unpack3A_524 : vector<16xf32>
      %add3A_527 = arith.addf %add3A_487, %unpack3A_525 : vector<16xf32>
      %gather3A_528 = arith.constant 16 : i32
      %gather3A_529 = tpu.memref_slice %arg8[%gather3A_528] : memref<7936xi32, #tpu.memory_space<vmem>> -> memref<7920xi32, #tpu.memory_space<vmem>>
      %gather3A_530 = tpu.vector_load_idx %gather3A_529[%add3A_505] : memref<7920xi32, #tpu.memory_space<vmem>>[vector<16xi32>], vector<16xi32>,
      %gather3A_531 = arith.constant 16 : i32
      %gather3A_532 = tpu.memref_slice %arg9[%gather3A_531] : memref<7936xi32, #tpu.memory_space<vmem>> -> memref<7920xi32, #tpu.memory_space<vmem>>
      %gather3A_533 = tpu.vector_load_idx %gather3A_532[%add3A_509] : memref<7920xi32, #tpu.memory_space<vmem>>[vector<16xi32>], vector<16xi32>,
      %bitcast3A_534 = vector.bitcast %gather3A_530 : vector<16xi32> to vector<32xbf16>
      %bitcast3A_535 = vector.bitcast %gather3A_533 : vector<16xi32> to vector<32xbf16>
      %mul3A_536 = arith.mulf %bitcast3A_534, %bitcast3A_535 : vector<32xbf16>
      %mul3A_537 = arith.mulf %mul3A_536, %pack3A_513 : vector<32xbf16>
      %unpack3A_538 = tpu.unpack_subelements %mul3A_537, 0 {pack_format = #tpu.pack_format<interleaved>} : vector<32xbf16> -> vector<16xf32>
      %unpack3A_539 = tpu.unpack_subelements %mul3A_537, 1 {pack_format = #tpu.pack_format<interleaved>} : vector<32xbf16> -> vector<16xf32>
      %add3A_540 = arith.addf %add3A_500, %unpack3A_538 : vector<16xf32>
      %add3A_541 = arith.addf %add3A_501, %unpack3A_539 : vector<16xf32>
      %slice3A_542 = vector.extract_strided_slice %mul3A_56 {offsets = [12], sizes = [1], strides = [1]} : vector<16xi32> to vector<1xi32>
      %squeeze3A_543 = vector.extract %slice3A_542[0] : i32 from vector<1xi32>
      %broadcast_in_dim3A_544 = vector.broadcast %squeeze3A_543 : i32 to vector<16xi32>
      %add3A_545 = arith.addi %broadcast_in_dim3A_544, %iota3A : vector<16xi32>
      %slice3A_546 = vector.extract_strided_slice %mul3A_64 {offsets = [12], sizes = [1], strides = [1]} : vector<16xi32> to vector<1xi32>
      %squeeze3A_547 = vector.extract %slice3A_546[0] : i32 from vector<1xi32>
      %broadcast_in_dim3A_548 = vector.broadcast %squeeze3A_547 : i32 to vector<16xi32>
      %add3A_549 = arith.addi %broadcast_in_dim3A_548, %iota3A : vector<16xi32>
      %slice3A_550 = vector.extract_strided_slice %get3A_51 {offsets = [12], sizes = [1], strides = [1]} : vector<16xf32> to vector<1xf32>
      %squeeze3A_551 = vector.extract %slice3A_550[0] : f32 from vector<1xf32>
      %broadcast_in_dim3A_552 = vector.broadcast %squeeze3A_551 : f32 to vector<16xf32>
      %pack3A_553 = tpu.pack_subelements %broadcast_in_dim3A_552, %broadcast_in_dim3A_552 {pack_format = #tpu.pack_format<interleaved>, positions = array<i32: 0, 1>} : vector<16xf32>, vector<16xf32> -> vector<32xbf16>
      %gather3A_554 = arith.constant 0 : i32
      %gather3A_555 = tpu.memref_slice %arg8[%gather3A_554] : memref<7936xi32, #tpu.memory_space<vmem>> -> memref<7936xi32, #tpu.memory_space<vmem>>
      %gather3A_556 = tpu.vector_load_idx %gather3A_555[%add3A_545] : memref<7936xi32, #tpu.memory_space<vmem>>[vector<16xi32>], vector<16xi32>,
      %gather3A_557 = arith.constant 0 : i32
      %gather3A_558 = tpu.memref_slice %arg9[%gather3A_557] : memref<7936xi32, #tpu.memory_space<vmem>> -> memref<7936xi32, #tpu.memory_space<vmem>>
      %gather3A_559 = tpu.vector_load_idx %gather3A_558[%add3A_549] : memref<7936xi32, #tpu.memory_space<vmem>>[vector<16xi32>], vector<16xi32>,
      %bitcast3A_560 = vector.bitcast %gather3A_556 : vector<16xi32> to vector<32xbf16>
      %bitcast3A_561 = vector.bitcast %gather3A_559 : vector<16xi32> to vector<32xbf16>
      %mul3A_562 = arith.mulf %bitcast3A_560, %bitcast3A_561 : vector<32xbf16>
      %mul3A_563 = arith.mulf %mul3A_562, %pack3A_553 : vector<32xbf16>
      %unpack3A_564 = tpu.unpack_subelements %mul3A_563, 0 {pack_format = #tpu.pack_format<interleaved>} : vector<32xbf16> -> vector<16xf32>
      %unpack3A_565 = tpu.unpack_subelements %mul3A_563, 1 {pack_format = #tpu.pack_format<interleaved>} : vector<32xbf16> -> vector<16xf32>
      %add3A_566 = arith.addf %add3A_526, %unpack3A_564 : vector<16xf32>
      %add3A_567 = arith.addf %add3A_527, %unpack3A_565 : vector<16xf32>
      %gather3A_568 = arith.constant 16 : i32
      %gather3A_569 = tpu.memref_slice %arg8[%gather3A_568] : memref<7936xi32, #tpu.memory_space<vmem>> -> memref<7920xi32, #tpu.memory_space<vmem>>
      %gather3A_570 = tpu.vector_load_idx %gather3A_569[%add3A_545] : memref<7920xi32, #tpu.memory_space<vmem>>[vector<16xi32>], vector<16xi32>,
      %gather3A_571 = arith.constant 16 : i32
      %gather3A_572 = tpu.memref_slice %arg9[%gather3A_571] : memref<7936xi32, #tpu.memory_space<vmem>> -> memref<7920xi32, #tpu.memory_space<vmem>>
      %gather3A_573 = tpu.vector_load_idx %gather3A_572[%add3A_549] : memref<7920xi32, #tpu.memory_space<vmem>>[vector<16xi32>], vector<16xi32>,
      %bitcast3A_574 = vector.bitcast %gather3A_570 : vector<16xi32> to vector<32xbf16>
      %bitcast3A_575 = vector.bitcast %gather3A_573 : vector<16xi32> to vector<32xbf16>
      %mul3A_576 = arith.mulf %bitcast3A_574, %bitcast3A_575 : vector<32xbf16>
      %mul3A_577 = arith.mulf %mul3A_576, %pack3A_553 : vector<32xbf16>
      %unpack3A_578 = tpu.unpack_subelements %mul3A_577, 0 {pack_format = #tpu.pack_format<interleaved>} : vector<32xbf16> -> vector<16xf32>
      %unpack3A_579 = tpu.unpack_subelements %mul3A_577, 1 {pack_format = #tpu.pack_format<interleaved>} : vector<32xbf16> -> vector<16xf32>
      %add3A_580 = arith.addf %add3A_540, %unpack3A_578 : vector<16xf32>
      %add3A_581 = arith.addf %add3A_541, %unpack3A_579 : vector<16xf32>
      %slice3A_582 = vector.extract_strided_slice %mul3A_56 {offsets = [13], sizes = [1], strides = [1]} : vector<16xi32> to vector<1xi32>
      %squeeze3A_583 = vector.extract %slice3A_582[0] : i32 from vector<1xi32>
      %broadcast_in_dim3A_584 = vector.broadcast %squeeze3A_583 : i32 to vector<16xi32>
      %add3A_585 = arith.addi %broadcast_in_dim3A_584, %iota3A : vector<16xi32>
      %slice3A_586 = vector.extract_strided_slice %mul3A_64 {offsets = [13], sizes = [1], strides = [1]} : vector<16xi32> to vector<1xi32>
      %squeeze3A_587 = vector.extract %slice3A_586[0] : i32 from vector<1xi32>
      %broadcast_in_dim3A_588 = vector.broadcast %squeeze3A_587 : i32 to vector<16xi32>
      %add3A_589 = arith.addi %broadcast_in_dim3A_588, %iota3A : vector<16xi32>
      %slice3A_590 = vector.extract_strided_slice %get3A_51 {offsets = [13], sizes = [1], strides = [1]} : vector<16xf32> to vector<1xf32>
      %squeeze3A_591 = vector.extract %slice3A_590[0] : f32 from vector<1xf32>
      %broadcast_in_dim3A_592 = vector.broadcast %squeeze3A_591 : f32 to vector<16xf32>
      %pack3A_593 = tpu.pack_subelements %broadcast_in_dim3A_592, %broadcast_in_dim3A_592 {pack_format = #tpu.pack_format<interleaved>, positions = array<i32: 0, 1>} : vector<16xf32>, vector<16xf32> -> vector<32xbf16>
      %gather3A_594 = arith.constant 0 : i32
      %gather3A_595 = tpu.memref_slice %arg8[%gather3A_594] : memref<7936xi32, #tpu.memory_space<vmem>> -> memref<7936xi32, #tpu.memory_space<vmem>>
      %gather3A_596 = tpu.vector_load_idx %gather3A_595[%add3A_585] : memref<7936xi32, #tpu.memory_space<vmem>>[vector<16xi32>], vector<16xi32>,
      %gather3A_597 = arith.constant 0 : i32
      %gather3A_598 = tpu.memref_slice %arg9[%gather3A_597] : memref<7936xi32, #tpu.memory_space<vmem>> -> memref<7936xi32, #tpu.memory_space<vmem>>
      %gather3A_599 = tpu.vector_load_idx %gather3A_598[%add3A_589] : memref<7936xi32, #tpu.memory_space<vmem>>[vector<16xi32>], vector<16xi32>,
      %bitcast3A_600 = vector.bitcast %gather3A_596 : vector<16xi32> to vector<32xbf16>
      %bitcast3A_601 = vector.bitcast %gather3A_599 : vector<16xi32> to vector<32xbf16>
      %mul3A_602 = arith.mulf %bitcast3A_600, %bitcast3A_601 : vector<32xbf16>
      %mul3A_603 = arith.mulf %mul3A_602, %pack3A_593 : vector<32xbf16>
      %unpack3A_604 = tpu.unpack_subelements %mul3A_603, 0 {pack_format = #tpu.pack_format<interleaved>} : vector<32xbf16> -> vector<16xf32>
      %unpack3A_605 = tpu.unpack_subelements %mul3A_603, 1 {pack_format = #tpu.pack_format<interleaved>} : vector<32xbf16> -> vector<16xf32>
      %add3A_606 = arith.addf %add3A_566, %unpack3A_604 : vector<16xf32>
      %add3A_607 = arith.addf %add3A_567, %unpack3A_605 : vector<16xf32>
      %gather3A_608 = arith.constant 16 : i32
      %gather3A_609 = tpu.memref_slice %arg8[%gather3A_608] : memref<7936xi32, #tpu.memory_space<vmem>> -> memref<7920xi32, #tpu.memory_space<vmem>>
      %gather3A_610 = tpu.vector_load_idx %gather3A_609[%add3A_585] : memref<7920xi32, #tpu.memory_space<vmem>>[vector<16xi32>], vector<16xi32>,
      %gather3A_611 = arith.constant 16 : i32
      %gather3A_612 = tpu.memref_slice %arg9[%gather3A_611] : memref<7936xi32, #tpu.memory_space<vmem>> -> memref<7920xi32, #tpu.memory_space<vmem>>
      %gather3A_613 = tpu.vector_load_idx %gather3A_612[%add3A_589] : memref<7920xi32, #tpu.memory_space<vmem>>[vector<16xi32>], vector<16xi32>,
      %bitcast3A_614 = vector.bitcast %gather3A_610 : vector<16xi32> to vector<32xbf16>
      %bitcast3A_615 = vector.bitcast %gather3A_613 : vector<16xi32> to vector<32xbf16>
      %mul3A_616 = arith.mulf %bitcast3A_614, %bitcast3A_615 : vector<32xbf16>
      %mul3A_617 = arith.mulf %mul3A_616, %pack3A_593 : vector<32xbf16>
      %unpack3A_618 = tpu.unpack_subelements %mul3A_617, 0 {pack_format = #tpu.pack_format<interleaved>} : vector<32xbf16> -> vector<16xf32>
      %unpack3A_619 = tpu.unpack_subelements %mul3A_617, 1 {pack_format = #tpu.pack_format<interleaved>} : vector<32xbf16> -> vector<16xf32>
      %add3A_620 = arith.addf %add3A_580, %unpack3A_618 : vector<16xf32>
      %add3A_621 = arith.addf %add3A_581, %unpack3A_619 : vector<16xf32>
      %slice3A_622 = vector.extract_strided_slice %mul3A_56 {offsets = [14], sizes = [1], strides = [1]} : vector<16xi32> to vector<1xi32>
      %squeeze3A_623 = vector.extract %slice3A_622[0] : i32 from vector<1xi32>
      %broadcast_in_dim3A_624 = vector.broadcast %squeeze3A_623 : i32 to vector<16xi32>
      %add3A_625 = arith.addi %broadcast_in_dim3A_624, %iota3A : vector<16xi32>
      %slice3A_626 = vector.extract_strided_slice %mul3A_64 {offsets = [14], sizes = [1], strides = [1]} : vector<16xi32> to vector<1xi32>
      %squeeze3A_627 = vector.extract %slice3A_626[0] : i32 from vector<1xi32>
      %broadcast_in_dim3A_628 = vector.broadcast %squeeze3A_627 : i32 to vector<16xi32>
      %add3A_629 = arith.addi %broadcast_in_dim3A_628, %iota3A : vector<16xi32>
      %slice3A_630 = vector.extract_strided_slice %get3A_51 {offsets = [14], sizes = [1], strides = [1]} : vector<16xf32> to vector<1xf32>
      %squeeze3A_631 = vector.extract %slice3A_630[0] : f32 from vector<1xf32>
      %broadcast_in_dim3A_632 = vector.broadcast %squeeze3A_631 : f32 to vector<16xf32>
      %pack3A_633 = tpu.pack_subelements %broadcast_in_dim3A_632, %broadcast_in_dim3A_632 {pack_format = #tpu.pack_format<interleaved>, positions = array<i32: 0, 1>} : vector<16xf32>, vector<16xf32> -> vector<32xbf16>
      %gather3A_634 = arith.constant 0 : i32
      %gather3A_635 = tpu.memref_slice %arg8[%gather3A_634] : memref<7936xi32, #tpu.memory_space<vmem>> -> memref<7936xi32, #tpu.memory_space<vmem>>
      %gather3A_636 = tpu.vector_load_idx %gather3A_635[%add3A_625] : memref<7936xi32, #tpu.memory_space<vmem>>[vector<16xi32>], vector<16xi32>,
      %gather3A_637 = arith.constant 0 : i32
      %gather3A_638 = tpu.memref_slice %arg9[%gather3A_637] : memref<7936xi32, #tpu.memory_space<vmem>> -> memref<7936xi32, #tpu.memory_space<vmem>>
      %gather3A_639 = tpu.vector_load_idx %gather3A_638[%add3A_629] : memref<7936xi32, #tpu.memory_space<vmem>>[vector<16xi32>], vector<16xi32>,
      %bitcast3A_640 = vector.bitcast %gather3A_636 : vector<16xi32> to vector<32xbf16>
      %bitcast3A_641 = vector.bitcast %gather3A_639 : vector<16xi32> to vector<32xbf16>
      %mul3A_642 = arith.mulf %bitcast3A_640, %bitcast3A_641 : vector<32xbf16>
      %mul3A_643 = arith.mulf %mul3A_642, %pack3A_633 : vector<32xbf16>
      %unpack3A_644 = tpu.unpack_subelements %mul3A_643, 0 {pack_format = #tpu.pack_format<interleaved>} : vector<32xbf16> -> vector<16xf32>
      %unpack3A_645 = tpu.unpack_subelements %mul3A_643, 1 {pack_format = #tpu.pack_format<interleaved>} : vector<32xbf16> -> vector<16xf32>
      %add3A_646 = arith.addf %add3A_606, %unpack3A_644 : vector<16xf32>
      %add3A_647 = arith.addf %add3A_607, %unpack3A_645 : vector<16xf32>
      %gather3A_648 = arith.constant 16 : i32
      %gather3A_649 = tpu.memref_slice %arg8[%gather3A_648] : memref<7936xi32, #tpu.memory_space<vmem>> -> memref<7920xi32, #tpu.memory_space<vmem>>
      %gather3A_650 = tpu.vector_load_idx %gather3A_649[%add3A_625] : memref<7920xi32, #tpu.memory_space<vmem>>[vector<16xi32>], vector<16xi32>,
      %gather3A_651 = arith.constant 16 : i32
      %gather3A_652 = tpu.memref_slice %arg9[%gather3A_651] : memref<7936xi32, #tpu.memory_space<vmem>> -> memref<7920xi32, #tpu.memory_space<vmem>>
      %gather3A_653 = tpu.vector_load_idx %gather3A_652[%add3A_629] : memref<7920xi32, #tpu.memory_space<vmem>>[vector<16xi32>], vector<16xi32>,
      %bitcast3A_654 = vector.bitcast %gather3A_650 : vector<16xi32> to vector<32xbf16>
      %bitcast3A_655 = vector.bitcast %gather3A_653 : vector<16xi32> to vector<32xbf16>
      %mul3A_656 = arith.mulf %bitcast3A_654, %bitcast3A_655 : vector<32xbf16>
      %mul3A_657 = arith.mulf %mul3A_656, %pack3A_633 : vector<32xbf16>
      %unpack3A_658 = tpu.unpack_subelements %mul3A_657, 0 {pack_format = #tpu.pack_format<interleaved>} : vector<32xbf16> -> vector<16xf32>
      %unpack3A_659 = tpu.unpack_subelements %mul3A_657, 1 {pack_format = #tpu.pack_format<interleaved>} : vector<32xbf16> -> vector<16xf32>
      %add3A_660 = arith.addf %add3A_620, %unpack3A_658 : vector<16xf32>
      %add3A_661 = arith.addf %add3A_621, %unpack3A_659 : vector<16xf32>
      %slice3A_662 = vector.extract_strided_slice %mul3A_56 {offsets = [15], sizes = [1], strides = [1]} : vector<16xi32> to vector<1xi32>
      %squeeze3A_663 = vector.extract %slice3A_662[0] : i32 from vector<1xi32>
      %broadcast_in_dim3A_664 = vector.broadcast %squeeze3A_663 : i32 to vector<16xi32>
      %add3A_665 = arith.addi %broadcast_in_dim3A_664, %iota3A : vector<16xi32>
      %slice3A_666 = vector.extract_strided_slice %mul3A_64 {offsets = [15], sizes = [1], strides = [1]} : vector<16xi32> to vector<1xi32>
      %squeeze3A_667 = vector.extract %slice3A_666[0] : i32 from vector<1xi32>
      %broadcast_in_dim3A_668 = vector.broadcast %squeeze3A_667 : i32 to vector<16xi32>
      %add3A_669 = arith.addi %broadcast_in_dim3A_668, %iota3A : vector<16xi32>
      %slice3A_670 = vector.extract_strided_slice %get3A_51 {offsets = [15], sizes = [1], strides = [1]} : vector<16xf32> to vector<1xf32>
      %squeeze3A_671 = vector.extract %slice3A_670[0] : f32 from vector<1xf32>
      %broadcast_in_dim3A_672 = vector.broadcast %squeeze3A_671 : f32 to vector<16xf32>
      %pack3A_673 = tpu.pack_subelements %broadcast_in_dim3A_672, %broadcast_in_dim3A_672 {pack_format = #tpu.pack_format<interleaved>, positions = array<i32: 0, 1>} : vector<16xf32>, vector<16xf32> -> vector<32xbf16>
      %gather3A_674 = arith.constant 0 : i32
      %gather3A_675 = tpu.memref_slice %arg8[%gather3A_674] : memref<7936xi32, #tpu.memory_space<vmem>> -> memref<7936xi32, #tpu.memory_space<vmem>>
      %gather3A_676 = tpu.vector_load_idx %gather3A_675[%add3A_665] : memref<7936xi32, #tpu.memory_space<vmem>>[vector<16xi32>], vector<16xi32>,
      %gather3A_677 = arith.constant 0 : i32
      %gather3A_678 = tpu.memref_slice %arg9[%gather3A_677] : memref<7936xi32, #tpu.memory_space<vmem>> -> memref<7936xi32, #tpu.memory_space<vmem>>
      %gather3A_679 = tpu.vector_load_idx %gather3A_678[%add3A_669] : memref<7936xi32, #tpu.memory_space<vmem>>[vector<16xi32>], vector<16xi32>,
      %bitcast3A_680 = vector.bitcast %gather3A_676 : vector<16xi32> to vector<32xbf16>
      %bitcast3A_681 = vector.bitcast %gather3A_679 : vector<16xi32> to vector<32xbf16>
      %mul3A_682 = arith.mulf %bitcast3A_680, %bitcast3A_681 : vector<32xbf16>
      %mul3A_683 = arith.mulf %mul3A_682, %pack3A_673 : vector<32xbf16>
      %unpack3A_684 = tpu.unpack_subelements %mul3A_683, 0 {pack_format = #tpu.pack_format<interleaved>} : vector<32xbf16> -> vector<16xf32>
      %unpack3A_685 = tpu.unpack_subelements %mul3A_683, 1 {pack_format = #tpu.pack_format<interleaved>} : vector<32xbf16> -> vector<16xf32>
      %add3A_686 = arith.addf %add3A_646, %unpack3A_684 : vector<16xf32>
      %add3A_687 = arith.addf %add3A_647, %unpack3A_685 : vector<16xf32>
      %gather3A_688 = arith.constant 16 : i32
      %gather3A_689 = tpu.memref_slice %arg8[%gather3A_688] : memref<7936xi32, #tpu.memory_space<vmem>> -> memref<7920xi32, #tpu.memory_space<vmem>>
      %gather3A_690 = tpu.vector_load_idx %gather3A_689[%add3A_665] : memref<7920xi32, #tpu.memory_space<vmem>>[vector<16xi32>], vector<16xi32>,
      %gather3A_691 = arith.constant 16 : i32
      %gather3A_692 = tpu.memref_slice %arg9[%gather3A_691] : memref<7936xi32, #tpu.memory_space<vmem>> -> memref<7920xi32, #tpu.memory_space<vmem>>
      %gather3A_693 = tpu.vector_load_idx %gather3A_692[%add3A_669] : memref<7920xi32, #tpu.memory_space<vmem>>[vector<16xi32>], vector<16xi32>,
      %bitcast3A_694 = vector.bitcast %gather3A_690 : vector<16xi32> to vector<32xbf16>
      %bitcast3A_695 = vector.bitcast %gather3A_693 : vector<16xi32> to vector<32xbf16>
      %mul3A_696 = arith.mulf %bitcast3A_694, %bitcast3A_695 : vector<32xbf16>
      %mul3A_697 = arith.mulf %mul3A_696, %pack3A_673 : vector<32xbf16>
      %unpack3A_698 = tpu.unpack_subelements %mul3A_697, 0 {pack_format = #tpu.pack_format<interleaved>} : vector<32xbf16> -> vector<16xf32>
      %unpack3A_699 = tpu.unpack_subelements %mul3A_697, 1 {pack_format = #tpu.pack_format<interleaved>} : vector<32xbf16> -> vector<16xf32>
      %add3A_700 = arith.addf %add3A_660, %unpack3A_698 : vector<16xf32>
      %add3A_701 = arith.addf %add3A_661, %unpack3A_699 : vector<16xf32>
      %mul3A_702 = arith.constant 64 : i32
      %mul3A_703 = vector.broadcast %mul3A_702 : i32 to vector<16xi32>
      %mul3A_704 = arith.muli %and3A_67, %mul3A_703 : vector<16xi32>
      %slice3A_705 = vector.extract_strided_slice %mul3A_704 {offsets = [0], sizes = [1], strides = [1]} : vector<16xi32> to vector<1xi32>
      %squeeze3A_706 = vector.extract %slice3A_705[0] : i32 from vector<1xi32>
      %broadcast_in_dim3A_707 = vector.broadcast %squeeze3A_706 : i32 to vector<16xi32>
      %add3A_708 = arith.addi %broadcast_in_dim3A_707, %iota3A : vector<16xi32>
      %scatter3A = arith.constant 0 : i32
      %scatter3A_709 = tpu.memref_slice %arg10[%scatter3A] : memref<15872xf32, #tpu.memory_space<vmem>> -> memref<15872xf32, #tpu.memory_space<vmem>>
      tpu.vector_store_idx %scatter3A_709[%add3A_708], %add3A_686 : memref<15872xf32, #tpu.memory_space<vmem>>[vector<16xi32>], vector<16xf32>,
      %scatter3A_710 = arith.constant 16 : i32
      %scatter3A_711 = tpu.memref_slice %arg10[%scatter3A_710] : memref<15872xf32, #tpu.memory_space<vmem>> -> memref<15856xf32, #tpu.memory_space<vmem>>
      tpu.vector_store_idx %scatter3A_711[%add3A_708], %add3A_687 : memref<15856xf32, #tpu.memory_space<vmem>>[vector<16xi32>], vector<16xf32>,
      %scatter3A_712 = arith.constant 32 : i32
      %scatter3A_713 = tpu.memref_slice %arg10[%scatter3A_712] : memref<15872xf32, #tpu.memory_space<vmem>> -> memref<15840xf32, #tpu.memory_space<vmem>>
      tpu.vector_store_idx %scatter3A_713[%add3A_708], %add3A_700 : memref<15840xf32, #tpu.memory_space<vmem>>[vector<16xi32>], vector<16xf32>,
      %scatter3A_714 = arith.constant 48 : i32
      %scatter3A_715 = tpu.memref_slice %arg10[%scatter3A_714] : memref<15872xf32, #tpu.memory_space<vmem>> -> memref<15824xf32, #tpu.memory_space<vmem>>
      tpu.vector_store_idx %scatter3A_715[%add3A_708], %add3A_701 : memref<15824xf32, #tpu.memory_space<vmem>>[vector<16xi32>], vector<16xf32>,
      tpu.vector_store_idx %arg11[%and3A_67], %broadcast_in_dim3A_3 : memref<272xf32, #tpu.memory_space<vmem>>[vector<16xi32>], vector<16xf32>,
      scf.yield %add3A_686, %add3A_687, %add3A_700, %add3A_701 : vector<16xf32>, vector<16xf32>, vector<16xf32>, vector<16xf32>
    }
    %scan3A_35 = arith.constant 983 : i32
    %scan3A_36 = arith.constant 0 : i32
    %scan3A_37 = arith.constant 248 : i32
    %scan3A_38 = arith.addi %scan3A_36, %scan3A_37 : i32
    %scan3A_39 = arith.constant 1 : i32
    %scan3A_40:4 = scf.for %scan3A_42 = %scan3A_36 to %scan3A_38 step %scan3A_39 iter_args(%scan3A_43 = %broadcast_in_dim3A_1, %scan3A_44 = %broadcast_in_dim3A_1, %scan3A_45 = %broadcast_in_dim3A_1, %scan3A_46 = %broadcast_in_dim3A_1) -> (vector<16xf32>, vector<16xf32>, vector<16xf32>, vector<16xf32>)  : i32 {
      %get3A = arith.index_cast %scan3A_42 : i32 to index
      %get3A_47 = tpu.vector_load %arg11[%get3A] {strides = array<i32>} : memref<272xf32, #tpu.memory_space<vmem>>, vector<16xf32>,
      %slice3A = vector.extract_strided_slice %get3A_47 {offsets = [0], sizes = [1], strides = [1]} : vector<16xf32> to vector<1xf32>
      %squeeze3A = vector.extract %slice3A[0] : f32 from vector<1xf32>
      %broadcast_in_dim3A_48 = vector.broadcast %squeeze3A : f32 to vector<16xf32>
      %mul3A_49 = arith.constant 64 : i32
      %mul3A_50 = arith.muli %scan3A_42, %mul3A_49 : i32
      %add3A_51 = arith.constant 0 : i32
      %add3A_52 = arith.addi %mul3A_50, %add3A_51 : i32
      %get3A_53 = arith.index_cast %add3A_52 : i32 to index
      %get3A_54 = tpu.vector_load %arg10[%get3A_53] {strides = array<i32>} : memref<15872xf32, #tpu.memory_space<vmem>>, vector<16xf32>,
      %sub3A = arith.subf %get3A_54, %scan3A_43 : vector<16xf32>
      %mul3A_55 = arith.mulf %sub3A, %broadcast_in_dim3A_48 : vector<16xf32>
      %mul3A_56 = arith.constant 64 : i32
      %mul3A_57 = arith.muli %scan3A_42, %mul3A_56 : i32
      %add3A_58 = arith.constant 0 : i32
      %add3A_59 = arith.addi %mul3A_57, %add3A_58 : i32
      %swap3A = arith.index_cast %add3A_59 : i32 to index
      %swap3A_60 = tpu.vector_load %arg10[%swap3A] {strides = array<i32>} : memref<15872xf32, #tpu.memory_space<vmem>>, vector<16xf32>,
      tpu.vector_store %arg10[%swap3A], %mul3A_55 {strides = array<i32>} : memref<15872xf32, #tpu.memory_space<vmem>>, vector<16xf32>,
      %add3A_61 = arith.addf %scan3A_43, %mul3A_55 : vector<16xf32>
      %mul3A_62 = arith.constant 64 : i32
      %mul3A_63 = arith.muli %scan3A_42, %mul3A_62 : i32
      %add3A_64 = arith.constant 16 : i32
      %add3A_65 = arith.addi %mul3A_63, %add3A_64 : i32
      %get3A_66 = arith.index_cast %add3A_65 : i32 to index
      %get3A_67 = tpu.vector_load %arg10[%get3A_66] {strides = array<i32>} : memref<15872xf32, #tpu.memory_space<vmem>>, vector<16xf32>,
      %sub3A_68 = arith.subf %get3A_67, %scan3A_44 : vector<16xf32>
      %mul3A_69 = arith.mulf %sub3A_68, %broadcast_in_dim3A_48 : vector<16xf32>
      %mul3A_70 = arith.constant 64 : i32
      %mul3A_71 = arith.muli %scan3A_42, %mul3A_70 : i32
      %add3A_72 = arith.constant 16 : i32
      %add3A_73 = arith.addi %mul3A_71, %add3A_72 : i32
      %swap3A_74 = arith.index_cast %add3A_73 : i32 to index
      %swap3A_75 = tpu.vector_load %arg10[%swap3A_74] {strides = array<i32>} : memref<15872xf32, #tpu.memory_space<vmem>>, vector<16xf32>,
      tpu.vector_store %arg10[%swap3A_74], %mul3A_69 {strides = array<i32>} : memref<15872xf32, #tpu.memory_space<vmem>>, vector<16xf32>,
      %add3A_76 = arith.addf %scan3A_44, %mul3A_69 : vector<16xf32>
      %mul3A_77 = arith.constant 64 : i32
      %mul3A_78 = arith.muli %scan3A_42, %mul3A_77 : i32
      %add3A_79 = arith.constant 32 : i32
      %add3A_80 = arith.addi %mul3A_78, %add3A_79 : i32
      %get3A_81 = arith.index_cast %add3A_80 : i32 to index
      %get3A_82 = tpu.vector_load %arg10[%get3A_81] {strides = array<i32>} : memref<15872xf32, #tpu.memory_space<vmem>>, vector<16xf32>,
      %sub3A_83 = arith.subf %get3A_82, %scan3A_45 : vector<16xf32>
      %mul3A_84 = arith.mulf %sub3A_83, %broadcast_in_dim3A_48 : vector<16xf32>
      %mul3A_85 = arith.constant 64 : i32
      %mul3A_86 = arith.muli %scan3A_42, %mul3A_85 : i32
      %add3A_87 = arith.constant 32 : i32
      %add3A_88 = arith.addi %mul3A_86, %add3A_87 : i32
      %swap3A_89 = arith.index_cast %add3A_88 : i32 to index
      %swap3A_90 = tpu.vector_load %arg10[%swap3A_89] {strides = array<i32>} : memref<15872xf32, #tpu.memory_space<vmem>>, vector<16xf32>,
      tpu.vector_store %arg10[%swap3A_89], %mul3A_84 {strides = array<i32>} : memref<15872xf32, #tpu.memory_space<vmem>>, vector<16xf32>,
      %add3A_91 = arith.addf %scan3A_45, %mul3A_84 : vector<16xf32>
      %mul3A_92 = arith.constant 64 : i32
      %mul3A_93 = arith.muli %scan3A_42, %mul3A_92 : i32
      %add3A_94 = arith.constant 48 : i32
      %add3A_95 = arith.addi %mul3A_93, %add3A_94 : i32
      %get3A_96 = arith.index_cast %add3A_95 : i32 to index
      %get3A_97 = tpu.vector_load %arg10[%get3A_96] {strides = array<i32>} : memref<15872xf32, #tpu.memory_space<vmem>>, vector<16xf32>,
      %sub3A_98 = arith.subf %get3A_97, %scan3A_46 : vector<16xf32>
      %mul3A_99 = arith.mulf %sub3A_98, %broadcast_in_dim3A_48 : vector<16xf32>
      %mul3A_100 = arith.constant 64 : i32
      %mul3A_101 = arith.muli %scan3A_42, %mul3A_100 : i32
      %add3A_102 = arith.constant 48 : i32
      %add3A_103 = arith.addi %mul3A_101, %add3A_102 : i32
      %swap3A_104 = arith.index_cast %add3A_103 : i32 to index
      %swap3A_105 = tpu.vector_load %arg10[%swap3A_104] {strides = array<i32>} : memref<15872xf32, #tpu.memory_space<vmem>>, vector<16xf32>,
      tpu.vector_store %arg10[%swap3A_104], %mul3A_99 {strides = array<i32>} : memref<15872xf32, #tpu.memory_space<vmem>>, vector<16xf32>,
      %add3A_106 = arith.addf %scan3A_46, %mul3A_99 : vector<16xf32>
      scf.yield %add3A_61, %add3A_76, %add3A_91, %add3A_106 : vector<16xf32>, vector<16xf32>, vector<16xf32>, vector<16xf32>
    }
    %scan3A_41 = arith.constant 248 : i32
    "tpu.region"() ({
      %run_scoped3A = tpu.sem_alloc : memref<!tpu.dma_semaphore, #tpu.memory_space<semaphore_mem>>
      %dma_start3A = arith.constant 0 : i32
      %dma_start3A_42 = tpu.memref_slice %arg7[%add3A, %dma_start3A] : memref<32x15872xf32, #tpu.memory_space<hbm>> -> memref<1x15872xf32, #tpu.memory_space<hbm>>
      %dma_start3A_43 = tpu.memref_squeeze %dma_start3A_42 : memref<1x15872xf32, #tpu.memory_space<hbm>> -> memref<15872xf32, #tpu.memory_space<hbm>>
      %dma_start3A_44 = arith.constant 0 : i32
      %dma_start3A_45 = tpu.memref_slice %arg7[%add3A, %dma_start3A_44] : memref<32x15872xf32, #tpu.memory_space<hbm>> -> memref<1x15872xf32, #tpu.memory_space<hbm>>
      %dma_start3A_46 = tpu.memref_squeeze %dma_start3A_45 : memref<1x15872xf32, #tpu.memory_space<hbm>> -> memref<15872xf32, #tpu.memory_space<hbm>>
      tpu.enqueue_dma source(%arg10 : memref<15872xf32, #tpu.memory_space<vmem>>) target(%dma_start3A_46 : memref<15872xf32, #tpu.memory_space<hbm>>) target_semaphore(%run_scoped3A : memref<!tpu.dma_semaphore, #tpu.memory_space<semaphore_mem>>)
      %dma_wait3A = arith.constant 0 : i32
      %dma_wait3A_47 = tpu.memref_slice %arg7[%add3A, %dma_wait3A] : memref<32x15872xf32, #tpu.memory_space<hbm>> -> memref<1x15872xf32, #tpu.memory_space<hbm>>
      %dma_wait3A_48 = tpu.memref_squeeze %dma_wait3A_47 : memref<1x15872xf32, #tpu.memory_space<hbm>> -> memref<15872xf32, #tpu.memory_space<hbm>>
      %dma_wait3A_49 = arith.constant 0 : i32
      %dma_wait3A_50 = tpu.memref_slice %arg7[%add3A, %dma_wait3A_49] : memref<32x15872xf32, #tpu.memory_space<hbm>> -> memref<1x15872xf32, #tpu.memory_space<hbm>>
      %dma_wait3A_51 = tpu.memref_squeeze %dma_wait3A_50 : memref<1x15872xf32, #tpu.memory_space<hbm>> -> memref<15872xf32, #tpu.memory_space<hbm>>
      tpu.wait_dma2 semaphore(%run_scoped3A : memref<!tpu.dma_semaphore, #tpu.memory_space<semaphore_mem>>) src(%arg10 : memref<15872xf32, #tpu.memory_space<vmem>>) dst(%dma_wait3A_51 : memref<15872xf32, #tpu.memory_space<hbm>>)
      tpu.yield
    }) : () -> ()
    return
  }
}

module attributes {stable_mosaic.version = 14 : i64} {
  func.func @body(%arg0: i32, %arg1: memref<256x248xf32, #tpu.memory_space<vmem>>, %arg2: memref<256x248xf32, #tpu.memory_space<vmem>>, %arg3: memref<256x248xf32, #tpu.memory_space<vmem>>, %arg4: memref<256x1xf32, #tpu.memory_space<vmem>>) attributes {dimension_semantics = [#tpu.dimension_semantics<arbitrary>], iteration_bounds = array<i64: 8>, scalar_prefetch = 0 : i64, scratch_operands = 0 : i64, tpu.core_type = #tpu.core_type<tc>, window_params = [{transform_indices = @transform_0, window_bounds = array<i64: 256, 248>}, {transform_indices = @transform_1, window_bounds = array<i64: 256, 248>}, {transform_indices = @transform_2, window_bounds = array<i64: 256, 248>}, {transform_indices = @transform_3, window_bounds = array<i64: 256, 1>}]} {
    %get3A = arith.constant 0 : index
    %get3A_0 = arith.constant 0 : index
    %get3A_1 = vector.load %arg1[%get3A, %get3A_0] : memref<256x248xf32, #tpu.memory_space<vmem>>, vector<256x248xf32>
    %get3A_2 = arith.constant 0 : index
    %get3A_3 = arith.constant 0 : index
    %get3A_4 = vector.load %arg2[%get3A_2, %get3A_3] : memref<256x248xf32, #tpu.memory_space<vmem>>, vector<256x248xf32>
    %mul3A = arith.mulf %get3A_1, %get3A_4 : vector<256x248xf32>
    %swap3A = arith.constant 0 : index
    %swap3A_5 = arith.constant 0 : index
    %swap3A_6 = vector.load %arg3[%swap3A, %swap3A_5] : memref<256x248xf32, #tpu.memory_space<vmem>>, vector<256x248xf32>
    tpu.vector_store %arg3[%swap3A, %swap3A_5], %mul3A {strides = array<i32>} : memref<256x248xf32, #tpu.memory_space<vmem>>, vector<256x248xf32>,
    %reduce_sum3A = arith.constant dense<0.000000e+00> : vector<256xf32>
    %reduce_sum3A_7 = vector.multi_reduction <add>, %mul3A, %reduce_sum3A [1] : vector<256x248xf32> to vector<256xf32>
    %broadcast_in_dim3A = vector.shape_cast %reduce_sum3A_7 : vector<256xf32> to vector<256x1xf32>
    %swap3A_8 = arith.constant 0 : index
    %swap3A_9 = arith.constant 0 : index
    %swap3A_10 = vector.load %arg4[%swap3A_8, %swap3A_9] : memref<256x1xf32, #tpu.memory_space<vmem>>, vector<256x1xf32>
    tpu.vector_store %arg4[%swap3A_8, %swap3A_9], %broadcast_in_dim3A {strides = array<i32>} : memref<256x1xf32, #tpu.memory_space<vmem>>, vector<256x1xf32>,
    return
  }
  func.func @transform_0(%arg0: i32) -> (i32, i32) {
    %c0_i32 = arith.constant 0 : i32
    %c0_i32_0 = arith.constant 0 : i32
    return %arg0, %c0_i32 : i32, i32
  }
  func.func @transform_1(%arg0: i32) -> (i32, i32) {
    %c0_i32 = arith.constant 0 : i32
    %c0_i32_0 = arith.constant 0 : i32
    return %arg0, %c0_i32 : i32, i32
  }
  func.func @transform_2(%arg0: i32) -> (i32, i32) {
    %c0_i32 = arith.constant 0 : i32
    %c0_i32_0 = arith.constant 0 : i32
    return %arg0, %c0_i32 : i32, i32
  }
  func.func @transform_3(%arg0: i32) -> (i32, i32) {
    %c0_i32 = arith.constant 0 : i32
    %c0_i32_0 = arith.constant 0 : i32
    return %arg0, %c0_i32 : i32, i32
  }
}

</mosaic_0001>

<sc_bundles>
// kernel: kernel.4.cloned.1.call-start
scs
__scs_entry_jumppad:
0x0: {  	(pc) =	sbr.rel $0x88, $3  }
0x1: {  	(tag) =	ssettag $0x0;
	lr =	simm.s32 $0x1  }
0x2: {  	[smem:$0x3F9B] =	sst lr;
	_ =	strace $0xD0000000  }
0x3: {  	_ = 	snop  }
0x4: {  	_ = 	snop  }
0x5: {  	_ = 	snop  }
0x6: {  	_ = 	snop  }
0x7: {  	_ = 	snop  }
__scs_overlays_trampoline_lowered:
0x8: {  	[smem:$0x3FAA] =	sst s0  }
0x9: {  	[smem:$0x3FAB] =	sst s1  }
0xa: {  	[smem:$0x3FAC] =	sst s2  }
0xb: {  	[smem:$0x3FAD] =	sst s3  }
0xc: {  	[smem:$0x3FAE] =	sst s4  }
0xd: {  	[smem:$0x3FAF] =	sst s5  }
0xe: {  	[smem:$0x3FB0] =	sst s6  }
0xf: {  	[smem:$0x3FB1] =	sst s7  }
0x10: {  	[smem:$0x3FB2] =	sst s8  }
0x11: {  	[smem:$0x3FB3] =	sst s9;
	s0 =	simm.s32 @!p0 $0x0  }
0x12: {  	s1 =	sld [smem:$0x3F99];
	s0 =	simm.s32 @p0 $0x1  }
0x13: {  	[smem:$0x3FB4] =	sst s0;
	s0 =	simm.s32 @!p1 $0x0  }
0x14: {  	s2 =	sld [smem:$0x3F98];
	s0 =	simm.s32 @p1 $0x1  }
0x15: {  	[smem:$0x3FB5] =	sst s0;
	s0 =	simm.s32 @!p2 $0x0  }
0x16: {  	s3 =	sld [smem:$0x3FDB];
	s0 =	simm.s32 @p2 $0x1  }
0x17: {  	s4 =	simm.s32 $0x1BF5;
	[smem:$0x3FB7] =	sst s0  }
0x18: {  	s0 =	sld [smem:$0x3F9A];
	_ =	swait.ge [sflag:s4], $0x0  }
0x19: {  	s7 =	sld [smem:$0x3F9B]  }
0x1a: {  	s8 =	sadd.s32 $0xFFFFE003, lr  }
0x1b: {  	s9 =	sadd.s32 $0xFFFFFEF7, lr;
	s5 =	simm.s32 $0xFFFFFFFF;
	p2 =	slt.u32 s8, $0xFFFFF086  }
0x1c: {  	p1 =	slt.u32 s9, $0xF7A;
	s5 =	simm.s32 @!p2 $0x0  }
0x1d: {  	s5 =	simm.s32 @p1 $0x1;
	p0 =	seq.s32 s7, s2  }
0x1e: {  	s7 =	smul.u32 @!p0 $0xF7A, s2;
	p2 =	seq.s32 @!p0 s5, $0x0  }
0x1f: {  	s9 =	smul.u32 $0xF7A, s1;
	s8 =	simm.s32 @!p0 $0x1BF5;
	p2 =	por !p2, p0  }
0x20: {  	[sflag:s8] =	ssyncset.s32 @!p0 $0xFFFFF086;
	s6 =	sadd.s32 @!p0 s3, s7;
	s7 =	simm.s32 @!p0 $0x108  }
0x21: {  	s3 =	sadd.s32 s3, s9;
	s6 =	sadd.s32 @!p0 $0x88, s6;
	s7 =	simm.s32 @p2 $0x1082  }
0x22: {  	[simem:s7], [sflag:s8] =	dma.local @!p0 [hbm:s6], $0xF7A  }
0x23: {  	s9 =	sor.u32 $0xD0000000, s2;
	s6 =	simm.s32 $0x108;
	_ =	swait.ge @!p0 [sflag:s8], $0x0  }
0x24: {  	s3 =	sadd.s32 $0x88, s3;
	s6 =	simm.s32 @!p1 $0x1082;
	[sflag:s4] =	ssyncset.s32 $0xFFFFF086  }
0x25: {  	[simem:s6], [sflag:s4] =	dma.local [hbm:s3], $0xF7A  }
0x26: {  	[smem:$0x3F9B] =	sst s1;
	(tag) =	ssettag s2;
	_ =	strace s9  }
0x27: {  	s1 =	sld [smem:$0x3FAB]  }
0x28: {  	s2 =	sld [smem:$0x3FAC]  }
0x29: {  	s4 =	sld [smem:$0x3FAE]  }
0x2a: {  	p0 =	seq.s32 s5, $0x0;
	s5 =	sld [smem:$0x3FAF]  }
0x2b: {  	s6 =	sld [smem:$0x3FB0]  }
0x2c: {  	s7 =	sld [smem:$0x3FB1]  }
0x2d: {  	s3 =	simm.s32 $0x108;
	s8 =	sld [smem:$0x3FB2]  }
0x2e: {  	s3 =	simm.s32 @!p0 $0x1082;
	s9 =	sld [smem:$0x3FB3]  }
0x2f: {  	lr =	sadd.s32 s0, s3;
	s0 =	sld [smem:$0x3FAA]  }
0x30: {  	s3 =	sld [smem:$0x3FAD]  }
0x31: {  	[smem:$0x3FB6] =	sst s10  }
0x32: {  	s10 =	sld [smem:$0x3FB4];
	_ =	sdelay $0x3  }
0x33: {  	p0 =	seq.s32 s10, $0x1;
	s10 =	sld [smem:$0x3FB6];
	_ =	sdelay $0x3  }
0x34: {  	[smem:$0x3FB6] =	sst s10  }
0x35: {  	s10 =	sld [smem:$0x3FB5];
	_ =	sdelay $0x3  }
0x36: {  	p1 =	seq.s32 s10, $0x1;
	s10 =	sld [smem:$0x3FB6];
	_ =	sdelay $0x3  }
0x37: {  	[smem:$0x3FB6] =	sst s10  }
0x38: {  	s10 =	sld [smem:$0x3FB7]  }
0x39: {  	_ = 	snop;
	(pc) =	sbr.ind lr, $3  }
0x3a: {  	_ = 	snop  }
0x3b: {  	_ = 	snop  }
0x3c: {  	p2 =	seq.s32 s10, $0x1;
	s10 =	sld [smem:$0x3FB6]  }
0x3d: {  	_ =	shalt  }
0x3e: {  	_ =	shalt  }
0x3f: {  	_ =	shalt  }
0x40: {  	_ =	shalt  }
0x41: {  	_ =	shalt  }
0x42: {  	_ =	shalt  }
0x43: {  	_ =	shalt  }
0x44: {  	_ =	shalt  }
0x45: {  	_ =	shalt  }
0x46: {  	_ =	shalt  }
0x47: {  	_ =	shalt  }
0x48: {  	_ =	shalt  }
0x49: {  	_ =	shalt  }
0x4a: {  	_ =	shalt  }
0x4b: {  	_ =	shalt  }
0x4c: {  	_ =	shalt  }
0x4d: {  	_ =	shalt  }
0x4e: {  	_ =	shalt  }
0x4f: {  	_ =	shalt  }
0x50: {  	_ =	shalt  }
0x51: {  	_ =	shalt  }
0x52: {  	_ =	shalt  }
0x53: {  	_ =	shalt  }
0x54: {  	_ =	shalt  }
0x55: {  	_ =	shalt  }
0x56: {  	_ =	shalt  }
0x57: {  	_ =	shalt  }
0x58: {  	_ =	shalt  }
0x59: {  	_ =	shalt  }
0x5a: {  	_ =	shalt  }
0x5b: {  	_ =	shalt  }
0x5c: {  	_ =	shalt  }
0x5d: {  	_ =	shalt  }
0x5e: {  	_ =	shalt  }
0x5f: {  	_ =	shalt  }
0x60: {  	_ =	shalt  }
0x61: {  	_ =	shalt  }
0x62: {  	_ =	shalt  }
0x63: {  	_ =	shalt  }
0x64: {  	_ =	shalt  }
0x65: {  	_ =	shalt  }
0x66: {  	_ =	shalt  }
0x67: {  	_ =	shalt  }
0x68: {  	_ =	shalt  }
0x69: {  	_ =	shalt  }
0x6a: {  	_ =	shalt  }
0x6b: {  	_ =	shalt  }
0x6c: {  	_ =	shalt  }
0x6d: {  	_ =	shalt  }
0x6e: {  	_ =	shalt  }
0x6f: {  	_ =	shalt  }
0x70: {  	_ =	shalt  }
0x71: {  	_ =	shalt  }
0x72: {  	_ =	shalt  }
0x73: {  	_ =	shalt  }
0x74: {  	_ =	shalt  }
0x75: {  	_ =	shalt  }
0x76: {  	_ =	shalt  }
0x77: {  	_ =	shalt  }
0x78: {  	_ =	shalt  }
0x79: {  	_ =	shalt  }
0x7a: {  	_ =	shalt  }
0x7b: {  	_ =	shalt  }
0x7c: {  	_ =	shalt  }
0x7d: {  	_ =	shalt  }
0x7e: {  	_ =	shalt  }
0x7f: {  	_ =	shalt  }
0x80: {  	_ =	shalt  }
0x81: {  	_ =	shalt  }
0x82: {  	_ =	shalt  }
0x83: {  	_ =	shalt  }
0x84: {  	_ =	shalt  }
0x85: {  	_ =	shalt  }
0x86: {  	_ =	shalt  }
0x87: {  	_ =	shalt  }
.Lfunc_end0:
.L_simem_size_0:
called_computation_lowered:
.L_overlay_start_0:
0x88: {  	s2 =	sld [smem:$0x3FD9]  }
0x89: {  	s3 =	sld [smem:$0x3FFE];
	_ =	sdelay $0x1  }
0x8a: {  	s1 =	srdreg.scid  }
0x8b: {  	s0 =	sand.u32 $0x1, s1  }
0x8c: {  	s14 =	sshll.u32 s0, $0xA;
	s2 =	sadd.s32 s3, s2  }
0x8d: {  	s2 =	sadd.s32 s2, s14  }
0x8e: {  	[smem:$0x3FC2] =	sst s2  }
0x8f: {  	_ = 	snop  }
0x90: {  	s2 =	sld [smem:$0x3FD0];
	_ =	sdelay $0x2  }
0x91: {  	s15 =	simm.s32 $0xA;
	s4 =	simm.s32 $0x10  }
0x92: {  	[smem:s4], [sflag:s15] =	dma.local [hbm:s2], $0x1  }
0x93: {  	_ =	swait.eq [sflag:s15], $0x1  }
0x94: {  	[sflag:s15] =	ssyncset.done $0x0  }
0x95: {  	[sflag:s15] =	ssyncadd.s32 $0xFFFFFFFF  }
0x96: {  	s16 =	sld [smem:$0x10];
	(tm) =	ssettm $0x1  }
0x97: {  	s17 =	sld [smem:$0x3FFB];
	_ =	sdelay $0x3  }
0x98: {  	_ =	strace s17  }
0x99: {  	s3 =	sld [smem:$0x3FFC];
	_ =	sdelay $0x3  }
0x9a: {  	_ =	strace s3  }
0x9b: {  	s3 =	sld [smem:$0x3FFD];
	_ =	sdelay $0x3  }
0x9c: {  	_ =	strace s3  }
0x9d: {  	_ =	strace $0x8FFFFFFF  }
0x9e: {  	s18 =	sld [smem:$0x3FDB];
	_ =	sdelay $0x1  }
0x9f: {  	s19 =	simm.s32 $_scs_section_size  }
0xa0: {  	s5 =	simm.s32 $_size__tile_overlayer_lowered;
	s6 =	simm.s32 $_tile_overlayer_lowered  }
0xa1: {  	s22 =	simm.s32 $0x1BFF;
	s21 =	sshll.u32 s6, $0x1;
	s3 =	sadd.s32 s19, s18  }
0xa2: {  	s7 =	simm.s32 $0x0;
	s20 =	sshll.u32 s5, $0x1;
	s5 =	sadd.s32 s21, s3  }
0xa3: {  	[timem:s7], [sflag:s22] =	dma.local [hbm:s5], s20  }
0xa4: {  	_ =	swait.ge [sflag:s22], s20  }
0xa5: {  	s4 =	ssub.s32 $0x0, s20;
	[sflag:s22] =	ssyncset.done $0x0  }
0xa6: {  	[sflag:s22] =	ssyncadd.s32 s4;
	_ =	sdelay $0x1  }
0xa7: {  	s23 =	simm.s32 $0x1B8B  }
0xa8: {  	_ =	swait.ge [sflag:s23], $0x1  }
0xa9: {  	[sflag:s23] =	ssyncset.done $0x0  }
0xaa: {  	s25 =	simm.s32 $0x1B8E;
	s24 =	sld [smem:$0x3FFE];
	[sflag:s23] =	ssyncadd.s32 $0xFFFFFFFF  }
0xab: {  	s26 =	simm.s32 $execute0_lowered;
	[smem:$0x3FD2] =	sst s25  }
0xac: {  	s5 =	sshll.u32 s26, $0x1;
	_ =	strace $0x80000046;
	[dreg:$0x1] =	wrdreg $0xFFFFFFFF  }
0xad: {  	s28 =	simm.s32 $_size_execute0_lowered;
	s3 =	sadd.s32 s3, s5;
	[dreg:$0x0] =	wrdreg $0x0  }
0xae: {  	s5 =	sshll.u32 s28, $0x1;
	[dreg:$0x2] =	wrdreg s3  }
0xaf: {  	[dreg:$0x3] =	wrdreg s5  }
0xb0: {  	[dreg:$0x4] =	wrdreg $0xC0  }
0xb1: {  	_ =	task [dreg:s7], $0x5FFFF  }
0xb2: {  	[dreg:$0x1] =	wrdreg $0xFFFFFFFF  }
0xb3: {  	[dreg:$0x0] =	wrdreg $0x60  }
0xb4: {  	[dreg:$0x2] =	wrdreg s24  }
0xb5: {  	[dreg:$0x3] =	wrdreg s16  }
0xb6: {  	[dreg:$0x4] =	wrdreg $0x9  }
0xb7: {  	_ =	task.clear_ibuf [dreg:s7], $0x5FFFF;
	_ =	strace $0x90000046  }
0xb8: {  	s29 =	simm.s32 $0x9;
	_ =	strace $0x80000048  }
0xb9: {  	_ =	swait.ge [sflag:s29], $0x1  }
0xba: {  	[sflag:s29] =	ssyncadd.s32 $0xFFFFFFFF  }
0xbb: {  	_ =	strace $0x90000048  }
0xbc: {  	_ =	sfence  }
0xbd: {  	s30 =	sld [smem:$0x0];
	_ =	sdelay $0x2  }
0xbe: {  	s31 =	sshll.u32 s1, $0xD;
	s1 =	sshrl.u32 s1, $0x2  }
0xbf: {  	s3 =	sand.u32 $0x4000, s31;
	s1 =	sadd.s32 s1, s30  }
0xc0: {  	s0 =	sor.u32 s3, s0;
	s1 =	sshll.u32 s1, $0x11  }
0xc1: {  	s0 =	sor.u32 s1, s0  }
0xc2: {  	s0 =	sadd.s32 $0x8F2B, s0  }
0xc3: {  	[sflag:s0] =	ssyncadd.remote.s32 $0x1  }
0xc4: {  	_ =	sfence.sel $0xFFFF  }
0xc5: {  	[dreg:$0x0] =	wrdreg $0xFFFFFFFF;
	(pc) =	sbr.abs _section_cstart, $3  }
0xc6: {  	[dreg:$0x1] =	wrdreg $0xFFFFFFFF  }
0xc7: {  	_ =	task.clear_ibuf [dreg:s7], $0x2FFFF;
	_ =	strace $0x9FFFFFFF  }
0xc8: {  	(tm) =	ssettm $0x7FFFFFFF  }
0xc9: {  	_ =	shalt  }
tec
execute0_lowered:
.L_overlay_start_1:
0x0: {  	(tag) =	ssettag $0x1  }
0x1: {  	s0 =	rddreg [dreg:$0x0]  }
0x2: {  	s1 =	rddreg [dreg:$0x1]  }
0x3: {  	s2 =	simm.s32 $0x0;
	s3 =	srdreg.scid;
	s5 =	stileid.u32  }
0x4: {  	s11 =	simm.s32 $0x400;
	s12 =	simm.s32 $0x1;
	s13 =	simm.s32 $0x1F00  }
0x5: {  	s16 =	simm.s32 $0x15680;
	s17 =	simm.s32 $0x10;
	s18 =	simm.s32 $0x1F10  }
0x6: {  	s19 =	simm.s32 $0x3E00;
	s20 =	simm.s32 $0x3E10;
	s21 =	simm.s32 $0x3E30  }
0x7: {  	s22 =	simm.s32 $0x7C00;
	s23 =	simm.s32 $0x0;
	[smem:$0x7FF] =	sst s2  }
0x8: {  	s6 =	sand.u32 $0x1, s3;
	s4 =	sshrl.u32 s5, $0x2;
	s25 =	sshll.u32 s5, $0x8  }
0x9: {  	s3 =	sadd.s32 $0xF800, s0;
	s5 =	sadd.s32 $0x10400, s0;
	_ =	strace $0x80000047  }
0xa: {  	s26 =	sshll.u32 s6, $0x7;
	s7 =	sand.u32 $0x300, s25;
	s8 =	smul.u32 $0xF800, s4  }
0xb: {  	s9 =	smul.u32 $0x1F000, s4;
	s10 =	ssub.s32 $0x2, s6;
	s7 =	sor.u32 s26, s7  }
0xc: {  	s4 =	sadd.s32 $0xFE00, s0;
	s29 =	sshrl.u32 s10, $0x1;
	s8 =	sor.u32 s8, s7  }
0xd: {  	s7 =	sor.u32 s9, s7;
	s31 =	ssub.s32 s10, s29;
	s28 =	sshrl.u32 s8, $0x3  }
0xe: {  	v0 =	vimm.f32 $0.0e+00;
	v1 =	vimm.s32 $0xF7;
	s10 =	simm.s32 $0x80;
	s30 =	sshrl.u32 s7, $0x3;
	s6 =	sadd.s32 s0, s28  }
0xf: {  	v2 =	vlaneseq.u32;
	v3 =	vimm.f32 $1.000000000e+00;
	v4 =	vimm.s32 $0x0;
	s9 =	smax.u32 s31, $0x1;
	s8 =	sadd.s32 s1, s30;
	s7 =	sadd.s32 $0x7C00, s6  }
.LBB2_1:
0x10: {  	[tilespmem:s2], [sflag:$0x1] =	stream.strided.gather [hbm4b:s6+s10], $0x1F00, s11, s10, $0x38;
	[tilespmem:$0x15800] =	vst v63  }
0x11: {  	_ =	swait.ge [sflag:s12], $0x1F00  }
0x12: {  	[sflag:s12] =	ssyncset.done $0x0  }
0x13: {  	[sflag:s12] =	ssyncadd.s32 $0xFFFFE100  }
0x14: {  	[tilespmem:s13], [sflag:$0x1] =	stream.strided.gather [hbm4b:s7+s10], $0x1F00, s11, s10, $0x38;
	[tilespmem:$0x15800] =	vst v63  }
0x15: {  	_ =	swait.ge [sflag:s12], $0x1F00  }
0x16: {  	[sflag:s12] =	ssyncset.done $0x0  }
0x17: {  	s0 =	simm.s32 $0x7D80;
	[sflag:s12] =	ssyncadd.s32 $0xFFFFE100  }
0x18: {  	[tilespmem:s0], [sflag:$0x1] =	stream.linear.gather [hbm4b:s3+s2], $0x2F00, $0x38;
	[tilespmem:$0x15800] =	vst v63  }
0x19: {  	_ =	swait.ge [sflag:s12], $0x2F00  }
0x1a: {  	[sflag:s12] =	ssyncset.done $0x0  }
0x1b: {  	s31 =	simm.s32 $0xAC80;
	[sflag:s12] =	ssyncadd.s32 $0xFFFFD100  }
0x1c: {  	[tilespmem:s31], [sflag:$0x1] =	stream.linear.gather [hbm4b:s4+s2], $0x2F00, $0x38;
	[tilespmem:$0x15800] =	vst v63  }
0x1d: {  	_ =	swait.ge [sflag:s12], $0x2F00  }
0x1e: {  	[sflag:s12] =	ssyncset.done $0x0  }
0x1f: {  	[sflag:s12] =	ssyncadd.s32 $0xFFFFD100  }
0x20: {  	[tilespmem:s16], [sflag:$0x1] =	stream.linear.gather [hbm4b:s5+s2], $0x180, $0x38;
	[tilespmem:$0x15800] =	vst v63  }
0x21: {  	_ =	swait.ge [sflag:s12], $0x180  }
0x22: {  	[sflag:s12] =	ssyncset.done $0x0  }
0x23: {  	s1 =	simm.s32 $0x100;
	s0 =	simm.s32 $0x0;
	[sflag:s12] =	ssyncadd.s32 $0xFFFFFE80  }
.LBB2_2:
0x24: {  	p0 =	sne.s32 s1, $0xF700;
	[tilespmem:s0+$0x3E30] =	vst v0;
	s14 =	smov.u32 s1;
	s1 =	sadd.s32 $0x100, s1  }
.Ltmp0:
0x25: {  	[tilespmem:s0+$0x3E20] =	vst v0;
	(pc) =	sbr.rel @p0 .LBB2_2-.Ltmp0, $3  }
0x26: {  	[tilespmem:s0+$0x3E00] =	vst v0  }
0x27: {  	[tilespmem:s0+$0x3E10] =	vst v0;
	_ =	sdelay $0x1  }
0x28: {  	s0 =	sshra.s32 s14, $0x2  }
0x29: {  	[tilespmem:s0+$0x3E30] =	vst v0  }
0x2a: {  	[tilespmem:s0+$0x3E20] =	vst v0  }
0x2b: {  	[tilespmem:s0+$0x3E00] =	vst v0  }
0x2c: {  	[tilespmem:s0+$0x3E10] =	vst v0  }
0x2d: {  	[tilespmem:$0x7C00] =	vst v0  }
0x2e: {  	[tilespmem:$0x7C10] =	vst v0  }
0x2f: {  	[tilespmem:$0x7C20] =	vst v0  }
0x30: {  	[tilespmem:$0x7C30] =	vst v0  }
0x31: {  	[tilespmem:$0x7C40] =	vst v0  }
0x32: {  	[tilespmem:$0x7C50] =	vst v0  }
0x33: {  	[tilespmem:$0x7C60] =	vst v0  }
0x34: {  	[tilespmem:$0x7C70] =	vst v0  }
0x35: {  	[tilespmem:$0x7C80] =	vst v0  }
0x36: {  	[tilespmem:$0x7C90] =	vst v0  }
0x37: {  	[tilespmem:$0x7CA0] =	vst v0  }
0x38: {  	[tilespmem:$0x7CB0] =	vst v0  }
0x39: {  	[tilespmem:$0x7CC0] =	vst v0  }
0x3a: {  	[tilespmem:$0x7CD0] =	vst v0  }
0x3b: {  	[tilespmem:$0x7CE0] =	vst v0  }
0x3c: {  	[tilespmem:$0x7CF0] =	vst v0  }
0x3d: {  	s25 =	simm.s32 $0x0;
	s0 =	simm.s32 $0x40;
	s1 =	simm.s32 $0x0;
	[tilespmem:$0x7D00] =	vst v0  }
.LBB2_4:
0x3e: {  	p0 =	sne.s32 s0, $0xF580;
	[tilespmem:s1+$0xDB80] =	vst v1;
	s14 =	smov.u32 s0;
	s0 =	sadd.s32 $0x40, s0  }
.Ltmp1:
0x3f: {  	[tilespmem:s1+$0x11900] =	vst v0;
	(pc) =	sbr.rel @p0 .LBB2_4-.Ltmp1, $2  }
0x40: {  	_ =	sdelay $0x2  }
0x41: {  	s1 =	sshra.s32 s14, $0x2  }
.Ltmp2:
0x42: {  	(pc) =	sbr.rel .LBB2_6-.Ltmp2, $3  }
0x43: {  	_ =	sdelay $0x1  }
0x44: {  	[tilespmem:s1+$0xDB80] =	vst v1  }
0x45: {  	[tilespmem:s1+$0x11900] =	vst v0;
	s26 =	simm.s32 $0x0  }
.LBB2_9:
0x46: {  	s26 =	sadd.s32 $0x1, s26  }
0x47: {  	p0 =	sne.s32 s26, $0xF8  }
.Ltmp3:
0x48: {  	_ = 	snop;
	(pc) =	sbr.rel @!p0 .LBB2_10-.Ltmp3, $3  }
0x49: {  	_ =	sdelay $0x1  }
0x4a: {  	s0 =	sand.u32 $0x7FF0, s24  }
0x4b: {  	v5 =	vimm.f32 $0.0e+00;
	s24 =	simm.s32 $0x0;
	s25 =	sadd.s32 s25, s0  }
.LBB2_6:
0x4c: {  	v5 =	vld [tilespmem:s26+$0x15680];
	_ =	sdelay $0x4  }
0x4d: {  	(v2sf) =	vpush v5, $0x0;
	_ =	sdelay $0xe  }
0x4e: {  	s1 =	spop (v2sf)  }
0x4f: {  	s28 =	sand.u32 $0x3FFF, s1  }
0x50: {  	s24 =	sadd.s32 $0xF, s28  }
0x51: {  	s0 =	sshrl.u32 s24, $0x4  }
0x52: {  	p0 =	seq.s32 s0, $0x0  }
.Ltmp4:
0x53: {  	_ = 	snop;
	(pc) =	sbr.rel @p0 .LBB2_9-.Ltmp4, $1  }
0x54: {  	_ =	sdelay $0x3  }
0x55: {  	s1 =	sshrl.u32 s1, $0xE  }
0x56: {  	s14 =	sadd.s32 $0x7D80, s1  }
0x57: {  	v5 =	vld [tilespmem:s14+$0x0];
	_ =	sdelay $0x1  }
0x58: {  	s29 =	sshll.u32 s25, $0x2  }
0x59: {  	s15 =	sshra.s32 s29, $0x2  }
0x5a: {  	s29 =	sadd.s32 $0xDB80, s15  }
0x5b: {  	s30 =	sadd.s32 $0xAC80, s1;
	[tilespmem:s29+$0x0] =	vst v5  }
0x5c: {  	s1 =	simm.s32 $0x0;
	v5 =	vmul.u32 $0xFFFFFFFF, v2;
	v6 =	vld [tilespmem:s30+$0x0]  }
0x5d: {  	s31 =	sshll.u32 s0, $0x4;
	s1 =	ssub.s32 s28, s1  }
0x5e: {  	p0 =	sne.s32 s31, $0x10;
	v7 =	vadd.s32 s1, v5  }
.Ltmp5:
0x5f: {  	vm0 =	vgt.s32 v7, $0x0;
	(pc) =	sbr.rel @!p0 .LBB2_9-.Ltmp5, $4  }
0x60: {  	v7 =	vsel vm0, $0x3F800000, v4  }
0x61: {  	v6 =	vmul.f32 v7, v6  }
0x62: {  	s0 =	sadd.s32 $0x11900, s15  }
0x63: {  	s14 =	sadd.s32 $0x10, s14;
	s1 =	simm.s32 $0x10;
	[tilespmem:s0+$0x0] =	vst v6  }
.LBB2_8:
0x64: {  	v6 =	vld [tilespmem:s14+$0x0];
	s15 =	smov.u32 s1;
	s1 =	sadd.s32 $0x10, s1  }
0x65: {  	p0 =	sne.s32 s31, s1;
	_ =	sdelay $0x2  }
0x66: {  	s29 =	sadd.s32 $0x10, s29  }
0x67: {  	s30 =	sadd.s32 $0x10, s30;
	[tilespmem:s29+$0x0] =	vst v6  }
0x68: {  	v6 =	vld [tilespmem:s30+$0x0]  }
0x69: {  	s15 =	ssub.s32 s28, s15  }
0x6a: {  	v7 =	vadd.s32 s15, v5  }
.Ltmp6:
0x6b: {  	vm0 =	vgt.s32 v7, $0x0;
	(pc) =	sbr.rel @p0 .LBB2_8-.Ltmp6, $4  }
0x6c: {  	v7 =	vsel vm0, $0x3F800000, v4  }
0x6d: {  	v6 =	vmul.f32 v7, v6  }
0x6e: {  	s0 =	sadd.s32 $0x10, s0  }
0x6f: {  	s14 =	sadd.s32 $0x10, s14;
	[tilespmem:s0+$0x0] =	vst v6  }
.Ltmp7:
0x70: {  	_ = 	snop;
	(pc) =	sbr.rel .LBB2_9-.Ltmp7, $1  }
0x71: {  	_ =	sdelay $0x3  }
.LBB2_10:
0x72: {  	v10 =	vimm.f32 $0.0e+00  }
0x73: {  	s25 =	simm.s32 $0x0;
	v11 =	vimm.f32 $0.0e+00;
	v12 =	vimm.f32 $0.0e+00;
	v13 =	vimm.f32 $0.0e+00  }
.LBB2_11:
0x74: {  	s0 =	sshra.s32 s25, $0x2  }
0x75: {  	v6 =	vld [tilespmem:s0+$0xDB80];
	_ =	sdelay $0x4  }
0x76: {  	v7 =	vshrl.u32 v6, $0xD  }
0x77: {  	v9 =	vand.u32 $0x7FFE0, v7;
	v7 =	vshrl.u32 v6, $0x4  }
0x78: {  	v8 =	vand.u32 $0x3FE0, v7;
	v7 =	vbroadcast v9, $0x0;
	_ =	sdelay $0x1  }
0x79: {  	v17 =	vbroadcast v9, $0x1;
	v15 =	vor.u32 v2, v7;
	_ =	sdelay $0x1  }
0x7a: {  	v14 =	vbroadcast v8, $0x0;
	v17 =	vor.u32 v2, v17;
	_ =	sdelay $0x1  }
0x7b: {  	v21 =	vbroadcast v9, $0x2;
	v7 =	vld [tilespmem:s0+$0x11900];
	v14 =	vor.u32 v2, v14  }
0x7c: {  	v44 =	vbroadcast v9, $0x5;
	v16 =	vld.idx.msk [tilespmem:v15+s24+$0x0], $0xffff  }
0x7d: {  	v19 =	vbroadcast v8, $0x1;
	v21 =	vor.u32 v2, v21;
	v15 =	vld.idx.msk [tilespmem:v15+s17+$0x0], $0xffff  }
0x7e: {  	v26 =	vbroadcast v8, $0x3;
	v48 =	vor.u32 v2, v44;
	v22 =	vld.idx.msk [tilespmem:v17+s24+$0x0], $0xffff  }
0x7f: {  	v19 =	vor.u32 v2, v19;
	v17 =	vld.idx.msk [tilespmem:v17+s17+$0x0], $0xffff  }
0x80: {  	v62 =	vor.u32 v2, v26;
	v18 =	vld.idx.msk [tilespmem:v14+s13+$0x0], $0xffff  }
0x81: {  	v32 =	vbroadcast v8, $0x4;
	v14 =	vld.idx.msk [tilespmem:v14+s18+$0x0], $0xffff  }
0x82: {  	v58 =	vbroadcast v9, $0x3;
	v30 =	vbroadcast v9, $0x4;
	v25 =	vld.idx.msk [tilespmem:v21+s24+$0x0], $0xffff  }
0x83: {  	v53 =	vbroadcast v9, $0x6;
	v57 =	vbroadcast v8, $0x2;
	v36 =	vor.u32 v2, v32;
	v55 =	vld.idx.msk [tilespmem:v48+s24+$0x0], $0xffff  }
0x84: {  	v47 =	vbroadcast v8, $0x5;
	v56 =	vbroadcast v8, $0x6;
	v23 =	vld.idx.msk [tilespmem:v19+s13+$0x0], $0xffff  }
0x85: {  	v20 =	vbroadcast v7, $0x0;
	v34 =	vld.idx.msk [tilespmem:v62+s13+$0x0], $0xffff;
	v16 =	vmul.bf16 v18, v16;
	v18 =	vor.u32 v2, v57  }
0x86: {  	(v2sf) =	vpush v6, $0x0;
	v59 =	vbroadcast v7, $0x1;
	v14 =	vmul.bf16 v14, v15;
	v15 =	vld.idx.msk [tilespmem:v19+s18+$0x0], $0xffff  }
0x87: {  	v29 =	vbroadcast v7, $0x2;
	v40 =	vbroadcast v7, $0x3;
	v41 =	vld.idx.msk [tilespmem:v62+s18+$0x0], $0xffff;
	v20 =	vpack.i.f32.bf16 v20, v20  }
0x88: {  	v50 =	vbroadcast v7, $0x4;
	v46 =	vld.idx.msk [tilespmem:v36+s13+$0x0], $0xffff;
	v19 =	vor.u32 v2, v58;
	v14 =	vmul.bf16 v14, v20  }
0x89: {  	v52 =	vld.idx.msk [tilespmem:v36+s18+$0x0], $0xffff;
	v36 =	vbroadcast v8, $0x8;
	v33 =	vpack.i.f32.bf16 v29, v29;
	v45 =	vpack.i.f32.bf16 v40, v40  }
0x8a: {  	v16 =	vmul.bf16 v16, v20;
	v63 =	vunpack.i.u.bf16.f32 v14;
	v14 =	vunpack.i.l.bf16.f32 v14;
	v61 =	vld.idx.msk [tilespmem:v18+s13+$0x0], $0xffff  }
0x8b: {  	v54 =	vpack.i.f32.bf16 v50, v50;
	v11 =	vadd.f32 v14, v11;
	v14 =	vmul.bf16 v15, v17;
	v15 =	vld.idx.msk [tilespmem:v21+s17+$0x0], $0xffff  }
0x8c: {  	v60 =	vmul.bf16 v23, v22;
	v24 =	vunpack.i.u.bf16.f32 v16;
	v16 =	vunpack.i.l.bf16.f32 v16;
	v18 =	vld.idx.msk [tilespmem:v18+s18+$0x0], $0xffff  }
0x8d: {  	v13 =	vadd.f32 v16, v13;
	v12 =	vadd.f32 v24, v12;
	v16 =	vpack.i.f32.bf16 v59, v59;
	v31 =	vld.idx.msk [tilespmem:v19+s24+$0x0], $0xffff  }
0x8e: {  	v10 =	vadd.f32 v63, v10;
	v24 =	vor.u32 v2, v30;
	v38 =	vld.idx.msk [tilespmem:v19+s17+$0x0], $0xffff;
	v20 =	vmul.bf16 v60, v16  }
0x8f: {  	v21 =	vor.u32 v2, v53;
	v19 =	vld.idx.msk [tilespmem:v48+s17+$0x0], $0xffff;
	v59 =	vbroadcast v9, $0x7;
	v48 =	vbroadcast v7, $0x8  }
0x90: {  	v14 =	vmul.bf16 v14, v16;
	v28 =	vunpack.i.u.bf16.f32 v20;
	v20 =	vunpack.i.l.bf16.f32 v20  }
0x91: {  	v63 =	vor.u32 v2, v59;
	v13 =	vadd.f32 v20, v13;
	v12 =	vadd.f32 v28, v12  }
0x92: {  	v37 =	vunpack.i.u.bf16.f32 v14;
	v22 =	vmul.bf16 v61, v25;
	v15 =	vmul.bf16 v18, v15  }
0x93: {  	v14 =	vunpack.i.l.bf16.f32 v14;
	v42 =	vmul.bf16 v34, v31;
	v17 =	vmul.bf16 v41, v38  }
0x94: {  	v11 =	vadd.f32 v14, v11;
	v61 =	vbroadcast v8, $0x7;
	v34 =	vbroadcast v7, $0x6  }
0x95: {  	v10 =	vadd.f32 v37, v10;
	v41 =	vbroadcast v7, $0x7;
	v35 =	vmul.bf16 v22, v33  }
0x96: {  	v25 =	vor.u32 v2, v47;
	v15 =	vmul.bf16 v15, v33;
	v16 =	vmul.bf16 v17, v45  }
0x97: {  	v51 =	vld.idx.msk [tilespmem:v24+s17+$0x0], $0xffff;
	v22 =	vor.u32 v2, v56;
	v29 =	vor.u32 v2, v61;
	v33 =	vbroadcast v9, $0x8  }
0x98: {  	v43 =	vld.idx.msk [tilespmem:v24+s24+$0x0], $0xffff;
	v56 =	vbroadcast v7, $0x9;
	v14 =	vunpack.i.u.bf16.f32 v35;
	v39 =	vunpack.i.l.bf16.f32 v35  }
0x99: {  	v62 =	vld.idx.msk [tilespmem:v21+s24+$0x0], $0xffff;
	v49 =	vunpack.i.u.bf16.f32 v15;
	v15 =	vunpack.i.l.bf16.f32 v15;
	v57 =	vunpack.i.u.bf16.f32 v16  }
0x9a: {  	v21 =	vld.idx.msk [tilespmem:v21+s17+$0x0], $0xffff;
	v16 =	vunpack.i.l.bf16.f32 v16;
	v38 =	vor.u32 v2, v33;
	v13 =	vadd.f32 v39, v13  }
0x9b: {  	v20 =	vld.idx.msk [tilespmem:v63+s17+$0x0], $0xffff;
	v12 =	vadd.f32 v14, v12;
	v14 =	vmul.bf16 v42, v45;
	v11 =	vadd.f32 v15, v11  }
0x9c: {  	v35 =	vld.idx.msk [tilespmem:v63+s24+$0x0], $0xffff;
	v10 =	vadd.f32 v49, v10;
	v18 =	vmul.bf16 v52, v51;
	v39 =	vor.u32 v2, v36  }
0x9d: {  	v60 =	vld.idx.msk [tilespmem:v25+s18+$0x0], $0xffff;
	v49 =	vbroadcast v9, $0xA;
	v52 =	vbroadcast v8, $0xA;
	v15 =	vunpack.i.u.bf16.f32 v14  }
0x9e: {  	v14 =	vunpack.i.l.bf16.f32 v14;
	v11 =	vadd.f32 v16, v11;
	v10 =	vadd.f32 v57, v10;
	v28 =	vld.idx.msk [tilespmem:v22+s13+$0x0], $0xffff  }
0x9f: {  	v17 =	vmul.bf16 v18, v54;
	v31 =	vld.idx.msk [tilespmem:v22+s18+$0x0], $0xffff;
	v22 =	vpack.i.f32.bf16 v34, v34;
	v57 =	vbroadcast v9, $0xB  }
0xa0: {  	v37 =	vld.idx.msk [tilespmem:v29+s13+$0x0], $0xffff;
	v13 =	vadd.f32 v14, v13;
	v14 =	vmul.bf16 v46, v43;
	v12 =	vadd.f32 v15, v12  }
0xa1: {  	v23 =	vld.idx.msk [tilespmem:v29+s18+$0x0], $0xffff;
	v46 =	vbroadcast v8, $0x9;
	v30 =	vunpack.i.u.bf16.f32 v17;
	v17 =	vunpack.i.l.bf16.f32 v17  }
0xa2: {  	v15 =	vld.idx.msk [tilespmem:v25+s13+$0x0], $0xffff;
	v43 =	vbroadcast v9, $0x9;
	v14 =	vmul.bf16 v14, v54;
	v11 =	vadd.f32 v17, v11  }
0xa3: {  	v10 =	vadd.f32 v30, v10;
	v19 =	vmul.bf16 v60, v19;
	v25 =	vor.u32 v2, v46  }
0xa4: {  	v42 =	vld.idx.msk [tilespmem:v38+s24+$0x0], $0xffff;
	v60 =	vbroadcast v8, $0xB;
	v46 =	vbroadcast v9, $0xE;
	v58 =	vunpack.i.u.bf16.f32 v14  }
0xa5: {  	v45 =	vld.idx.msk [tilespmem:v39+s13+$0x0], $0xffff;
	v14 =	vunpack.i.l.bf16.f32 v14;
	v16 =	vmul.bf16 v28, v62;
	v17 =	vmul.bf16 v31, v21  }
0xa6: {  	v44 =	vmul.bf16 v37, v35;
	v13 =	vadd.f32 v14, v13;
	v14 =	vbroadcast v7, $0x5  }
0xa7: {  	v20 =	vmul.bf16 v23, v20;
	v21 =	vor.u32 v2, v52;
	v15 =	vmul.bf16 v15, v55  }
0xa8: {  	v23 =	vor.u32 v2, v60;
	v35 =	vbroadcast v8, $0xC;
	v14 =	vpack.i.f32.bf16 v14, v14  }
0xa9: {  	v12 =	vadd.f32 v58, v12;
	v15 =	vmul.bf16 v15, v14;
	v14 =	vmul.bf16 v19, v14  }
0xaa: {  	v16 =	vmul.bf16 v16, v22;
	v37 =	vor.u32 v2, v35;
	v50 =	vmul.bf16 v45, v42  }
0xab: {  	v32 =	vunpack.i.l.bf16.f32 v15;
	v15 =	vunpack.i.u.bf16.f32 v15;
	v40 =	vunpack.i.l.bf16.f32 v14  }
0xac: {  	v14 =	vunpack.i.u.bf16.f32 v14;
	v13 =	vadd.f32 v32, v13;
	v12 =	vadd.f32 v15, v12  }
0xad: {  	v24 =	vld.idx.msk [tilespmem:v39+s18+$0x0], $0xffff;
	v11 =	vadd.f32 v40, v11;
	v10 =	vadd.f32 v14, v10;
	v14 =	vunpack.i.u.bf16.f32 v16  }
0xae: {  	v19 =	vld.idx.msk [tilespmem:v38+s17+$0x0], $0xffff;
	v15 =	vmul.bf16 v17, v22;
	v16 =	vunpack.i.l.bf16.f32 v16;
	v17 =	vpack.i.f32.bf16 v41, v41  }
0xaf: {  	v22 =	vor.u32 v2, v43;
	v32 =	vbroadcast v9, $0xC;
	v40 =	vbroadcast v9, $0xD  }
0xb0: {  	v43 =	vbroadcast v8, $0xD;
	v9 =	vbroadcast v9, $0xF;
	v13 =	vadd.f32 v16, v13  }
0xb1: {  	v47 =	vunpack.i.l.bf16.f32 v15;
	v16 =	vmul.bf16 v44, v17;
	v12 =	vadd.f32 v14, v12  }
0xb2: {  	v14 =	vunpack.i.u.bf16.f32 v15;
	v15 =	vmul.bf16 v20, v17;
	v17 =	vpack.i.f32.bf16 v48, v48  }
0xb3: {  	v53 =	vld.idx.msk [tilespmem:v25+s13+$0x0], $0xffff;
	v19 =	vmul.bf16 v24, v19;
	v20 =	vor.u32 v2, v49;
	v24 =	vor.u32 v2, v57  }
0xb4: {  	v55 =	vld.idx.msk [tilespmem:v25+s18+$0x0], $0xffff;
	v18 =	vor.u32 v2, v32;
	v44 =	vor.u32 v2, v43;
	v11 =	vadd.f32 v47, v11  }
0xb5: {  	v10 =	vadd.f32 v14, v10;
	v14 =	vunpack.i.u.bf16.f32 v16;
	v16 =	vunpack.i.l.bf16.f32 v16;
	v51 =	vld.idx.msk [tilespmem:v22+s24+$0x0], $0xffff  }
0xb6: {  	v54 =	vunpack.i.l.bf16.f32 v15;
	v12 =	vadd.f32 v14, v12;
	v14 =	vunpack.i.u.bf16.f32 v15;
	v15 =	vld.idx.msk [tilespmem:v22+s17+$0x0], $0xffff  }
0xb7: {  	v48 =	vbroadcast v8, $0xE;
	v13 =	vadd.f32 v16, v13;
	v16 =	vmul.bf16 v50, v17  }
0xb8: {  	v61 =	vld.idx.msk [tilespmem:v21+s13+$0x0], $0xffff;
	v8 =	vbroadcast v8, $0xF;
	v11 =	vadd.f32 v54, v11;
	v17 =	vmul.bf16 v19, v17  }
0xb9: {  	v10 =	vadd.f32 v14, v10;
	v14 =	vunpack.i.u.bf16.f32 v16;
	v16 =	vunpack.i.l.bf16.f32 v16;
	v59 =	vld.idx.msk [tilespmem:v20+s24+$0x0], $0xffff  }
0xba: {  	v62 =	vunpack.i.l.bf16.f32 v17;
	v17 =	vunpack.i.u.bf16.f32 v17;
	v58 =	vmul.bf16 v53, v51  }
0xbb: {  	v29 =	vld.idx.msk [tilespmem:v21+s18+$0x0], $0xffff;
	v12 =	vadd.f32 v14, v12;
	v14 =	vpack.i.f32.bf16 v56, v56;
	v15 =	vmul.bf16 v55, v15  }
0xbc: {  	v63 =	vld.idx.msk [tilespmem:v20+s17+$0x0], $0xffff;
	v13 =	vadd.f32 v16, v13;
	v11 =	vadd.f32 v62, v11;
	v16 =	vmul.bf16 v58, v14  }
0xbd: {  	v34 =	vld.idx.msk [tilespmem:v23+s13+$0x0], $0xffff;
	v10 =	vadd.f32 v17, v10;
	v14 =	vmul.bf16 v15, v14;
	v15 =	vbroadcast v7, $0xA  }
0xbe: {  	v23 =	vld.idx.msk [tilespmem:v23+s18+$0x0], $0xffff;
	v17 =	vor.u32 v2, v40;
	v30 =	vmul.bf16 v61, v59;
	v28 =	vunpack.i.u.bf16.f32 v16  }
0xbf: {  	v31 =	vld.idx.msk [tilespmem:v24+s24+$0x0], $0xffff;
	v16 =	vunpack.i.l.bf16.f32 v16;
	v33 =	vunpack.i.u.bf16.f32 v14;
	v15 =	vpack.i.f32.bf16 v15, v15  }
0xc0: {  	v25 =	vld.idx.msk [tilespmem:v37+s13+$0x0], $0xffff;
	v14 =	vunpack.i.l.bf16.f32 v14;
	v13 =	vadd.f32 v16, v13;
	v16 =	vmul.bf16 v30, v15  }
0xc1: {  	v9 =	vor.u32 v2, v9;
	v36 =	vld.idx.msk [tilespmem:v24+s17+$0x0], $0xffff;
	v11 =	vadd.f32 v14, v11;
	v14 =	vmul.bf16 v29, v63  }
0xc2: {  	v47 =	vbroadcast v7, $0xC;
	v8 =	vor.u32 v2, v8;
	v42 =	vld.idx.msk [tilespmem:v18+s24+$0x0], $0xffff;
	v38 =	vunpack.i.u.bf16.f32 v16  }
0xc3: {  	v18 =	vld.idx.msk [tilespmem:v18+s17+$0x0], $0xffff;
	v16 =	vunpack.i.l.bf16.f32 v16;
	v14 =	vmul.bf16 v14, v15;
	v15 =	vbroadcast v7, $0xB  }
0xc4: {  	v54 =	vbroadcast v7, $0xD;
	v53 =	vld.idx.msk [tilespmem:v44+s18+$0x0], $0xffff;
	v39 =	vmul.bf16 v34, v31;
	v13 =	vadd.f32 v16, v13  }
0xc5: {  	v50 =	vld.idx.msk [tilespmem:v17+s24+$0x0], $0xffff;
	v41 =	vunpack.i.u.bf16.f32 v14;
	v15 =	vpack.i.f32.bf16 v15, v15;
	v14 =	vunpack.i.l.bf16.f32 v14  }
0xc6: {  	v17 =	vld.idx.msk [tilespmem:v17+s17+$0x0], $0xffff;
	v16 =	vmul.bf16 v39, v15;
	v11 =	vadd.f32 v14, v11;
	v14 =	vmul.bf16 v23, v36  }
0xc7: {  	v20 =	vpack.i.f32.bf16 v47, v47;
	v52 =	vld.idx.msk [tilespmem:v44+s13+$0x0], $0xffff;
	v49 =	vmul.bf16 v25, v42;
	v23 =	vor.u32 v2, v48  }
0xc8: {  	v45 =	vunpack.i.u.bf16.f32 v16;
	v16 =	vunpack.i.l.bf16.f32 v16;
	v14 =	vmul.bf16 v14, v15;
	v15 =	vld.idx.msk [tilespmem:v37+s18+$0x0], $0xffff  }
0xc9: {  	v59 =	vbroadcast v7, $0xE;
	v13 =	vadd.f32 v16, v13;
	v16 =	vor.u32 v2, v46  }
0xca: {  	v21 =	vmul.bf16 v49, v20;
	v12 =	vadd.f32 v28, v12;
	v10 =	vadd.f32 v33, v10  }
0xcb: {  	v19 =	vpack.i.f32.bf16 v54, v54;
	v7 =	vbroadcast v7, $0xF;
	v17 =	vmul.bf16 v53, v17  }
0xcc: {  	v12 =	vadd.f32 v38, v12;
	v56 =	vmul.bf16 v52, v50;
	v10 =	vadd.f32 v41, v10  }
0xcd: {  	v17 =	vmul.bf16 v17, v19;
	v51 =	vunpack.i.l.bf16.f32 v14;
	v57 =	vld.idx.msk [tilespmem:v23+s13+$0x0], $0xffff;
	v15 =	vmul.bf16 v15, v18  }
0xce: {  	v12 =	vadd.f32 v45, v12;
	v14 =	vunpack.i.u.bf16.f32 v14;
	v11 =	vadd.f32 v51, v11;
	v55 =	vld.idx.msk [tilespmem:v16+s24+$0x0], $0xffff  }
0xcf: {  	v60 =	vld.idx.msk [tilespmem:v8+s13+$0x0], $0xffff;
	v10 =	vadd.f32 v14, v10;
	v14 =	vunpack.i.l.bf16.f32 v21;
	v15 =	vmul.bf16 v15, v20  }
0xd0: {  	v58 =	vld.idx.msk [tilespmem:v23+s18+$0x0], $0xffff;
	v13 =	vadd.f32 v14, v13;
	v14 =	vunpack.i.u.bf16.f32 v21;
	v21 =	vmul.bf16 v56, v19  }
0xd1: {  	v12 =	vadd.f32 v14, v12;
	v16 =	vld.idx.msk [tilespmem:v16+s17+$0x0], $0xffff;
	v14 =	vunpack.i.u.bf16.f32 v15;
	v15 =	vunpack.i.l.bf16.f32 v15  }
0xd2: {  	v11 =	vadd.f32 v15, v11;
	v10 =	vadd.f32 v14, v10;
	v14 =	vld.idx.msk [tilespmem:v9+s24+$0x0], $0xffff;
	v15 =	vunpack.i.l.bf16.f32 v21  }
0xd3: {  	v8 =	vld.idx.msk [tilespmem:v8+s18+$0x0], $0xffff;
	v13 =	vadd.f32 v15, v13;
	v15 =	vmul.bf16 v57, v55  }
0xd4: {  	v7 =	vpack.i.f32.bf16 v7, v7;
	v62 =	vunpack.i.l.bf16.f32 v17;
	v19 =	vpack.i.f32.bf16 v59, v59;
	v9 =	vld.idx.msk [tilespmem:v9+s17+$0x0], $0xffff  }
0xd5: {  	v17 =	vunpack.i.u.bf16.f32 v17;
	v61 =	vunpack.i.u.bf16.f32 v21;
	v15 =	vmul.bf16 v15, v19  }
0xd6: {  	s31 =	spop (v2sf);
	v12 =	vadd.f32 v61, v12;
	v16 =	vmul.bf16 v58, v16;
	v11 =	vadd.f32 v62, v11  }
0xd7: {  	s0 =	sshll.u32 s31, $0x6;
	v14 =	vmul.bf16 v60, v14;
	v63 =	vunpack.i.u.bf16.f32 v15;
	v15 =	vunpack.i.l.bf16.f32 v15  }
0xd8: {  	s0 =	sand.u32 $0x7FC0, s0;
	v10 =	vadd.f32 v17, v10;
	v13 =	vadd.f32 v15, v13;
	v15 =	vmul.bf16 v16, v19  }
0xd9: {  	v8 =	vmul.bf16 v8, v9;
	v9 =	vor.u32 s0, v2;
	v14 =	vmul.bf16 v14, v7  }
0xda: {  	v12 =	vadd.f32 v63, v12;
	v16 =	vunpack.i.u.bf16.f32 v15;
	v15 =	vunpack.i.l.bf16.f32 v15  }
0xdb: {  	v7 =	vmul.bf16 v8, v7;
	v11 =	vadd.f32 v15, v11;
	v15 =	vunpack.i.l.bf16.f32 v14  }
0xdc: {  	v8 =	vadd.f32 v16, v10;
	v10 =	vunpack.i.u.bf16.f32 v14;
	v13 =	vadd.f32 v15, v13  }
0xdd: {  	p0 =	sne.s32 s25, $0xF580;
	v6 =	vand.u32 $0x1FF, v6;
	v12 =	vadd.f32 v10, v12;
	v10 =	vunpack.i.l.bf16.f32 v7  }
.Ltmp8:
0xde: {  	v7 =	vunpack.i.u.bf16.f32 v7;
	v11 =	vadd.f32 v10, v11;
	[tilespmem:v9+s19+$0x0] =	vst.idx.msk $0xffff, v13;
	(pc) =	sbr.rel @p0 .LBB2_11-.Ltmp8, $4  }
0xdf: {  	s26 =	simm.s32 $0x3E20;
	v10 =	vadd.f32 v7, v8;
	[tilespmem:v9+s20+$0x0] =	vst.idx.msk $0xffff, v12  }
0xe0: {  	[tilespmem:v9+s26+$0x0] =	vst.idx.msk $0xffff, v11  }
0xe1: {  	[tilespmem:v9+s21+$0x0] =	vst.idx.msk $0xffff, v10  }
0xe2: {  	s25 =	sadd.s32 $0x40, s25;
	[tilespmem:v6+s22+$0x0] =	vst.idx.msk $0xffff, v3  }
0xe3: {  	v7 =	vld [tilespmem:s26+$0xFFFFFFF0]  }
0xe4: {  	v8 =	vld [tilespmem:s26+$0xFFFFFFE0]  }
0xe5: {  	v9 =	vld [tilespmem:s26+$0x0];
	s0 =	simm.s32 $0x0  }
0xe6: {  	v6 =	vld.msk [tilespmem:s0+$0x7C00 ss:$0x0], $0xffff  }
0xe7: {  	v12 =	vld [tilespmem:s26+$0x10];
	_ =	sdelay $0x1  }
0xe8: {  	v8 =	vsub.f32 v8, v5  }
0xe9: {  	v7 =	vsub.f32 v7, v5;
	v9 =	vsub.f32 v9, v5  }
0xea: {  	v10 =	vmul.f32 v8, v6  }
0xeb: {  	v12 =	vsub.f32 v12, v5;
	v11 =	vmul.f32 v9, v6;
	v13 =	vmul.f32 v7, v6  }
0xec: {  	s24 =	simm.s32 $0x4;
	s25 =	simm.s32 $0x3E60;
	v7 =	vimm.f32 $0.0e+00;
	v8 =	vimm.f32 $0.0e+00;
	v9 =	vimm.f32 $0.0e+00  }
.LBB2_13:
0xed: {  	v14 =	vld [tilespmem:s25+$0xFFFFFFF0];
	p0 =	sne.s32 s24, $0x3DC;
	[tilespmem:s26+$0x0] =	vst v11;
	s0 =	smov.u32 s24;
	s24 =	sadd.s32 $0x4, s24  }
0xee: {  	v6 =	vmul.f32 v12, v6;
	v15 =	vld [tilespmem:s25+$0x0];
	[tilespmem:s26+$0xFFFFFFF0] =	vst v13;
	v5 =	vadd.f32 v13, v5  }
0xef: {  	v7 =	vadd.f32 v11, v7;
	s0 =	sshra.s32 s0, $0x2;
	[tilespmem:s26+$0xFFFFFFE0] =	vst v10  }
0xf0: {  	v8 =	vadd.f32 v10, v8;
	v9 =	vadd.f32 v6, v9;
	v11 =	vld [tilespmem:s25+$0xFFFFFFE0];
	[tilespmem:s26+$0x10] =	vst v6;
	s26 =	smov.u32 s25  }
0xf1: {  	v6 =	vld.msk [tilespmem:s0+$0x7C00 ss:$0x0], $0xffff  }
0xf2: {  	v12 =	vld [tilespmem:s25+$0x10];
	_ =	sdelay $0x1  }
.Ltmp9:
0xf3: {  	v13 =	vsub.f32 v14, v5;
	(pc) =	sbr.rel @p0 .LBB2_13-.Ltmp9, $3  }
0xf4: {  	v10 =	vsub.f32 v11, v8;
	v11 =	vsub.f32 v15, v7;
	_ =	sdelay $0x1  }
0xf5: {  	v10 =	vmul.f32 v10, v6;
	v11 =	vmul.f32 v11, v6;
	v12 =	vsub.f32 v12, v9  }
0xf6: {  	s25 =	sadd.s32 $0x40, s25;
	v13 =	vmul.f32 v13, v6  }
0xf7: {  	[tilespmem:s26+$0x0] =	vst v11  }
0xf8: {  	v5 =	vmul.f32 v12, v6;
	[tilespmem:s26+$0xFFFFFFE0] =	vst v10;
	s23 =	sadd.s32 $0x1, s23  }
0xf9: {  	[tilespmem:s26+$0xFFFFFFF0] =	vst v13;
	p0 =	sne.s32 s23, s9  }
.Ltmp10:
0xfa: {  	[tilespmem:s26+$0x10] =	vst v5;
	(pc) =	sbr.rel @p0 .LBB2_1-.Ltmp10, $4  }
0xfb: {  	[hbm4b:s8+s10] =	stream.strided.scatter [tilespmem:s19], [sflag:$0x1], $0x3E00, s11, s10, $0x38;
	[tilespmem:$0x15800] =	vst v63  }
0xfc: {  	_ =	swait.ge [sflag:s12], $0x3E00  }
0xfd: {  	[sflag:s12] =	ssyncset.done $0x0  }
0xfe: {  	[sflag:s12] =	ssyncadd.s32 $0xFFFFC200  }
0xff: {  	_ =	sfence.sel $0x180000  }
0x100: {  	[bflag:$0x0] =	sbarrier.arrive $0xFFFF  }
0x101: {  	_ =	strace $0x90000047  }
0x102: {  	s0 =	stileid.u32;
	[bflag:$0x2] =	sbarrier.arrive $0xFFFF  }
0x103: {  	p0 =	sne.s32 s0, $0x0;
	s0 =	rddreg [dreg:$0x2]  }
0x104: {  	s0 =	sadd.s32 @!p0 $0x100000, s0  }
0x105: {  	[sflag:s0] =	ssyncadd.tile.s32 @!p0 $0x1;
	_ =	shalt  }
.Lfunc_end2:
_tile_overlayer_lowered:
.L_overlay_start_2:
0x106: {  	(tag) =	ssettag $0x2  }
0x107: {  	s0 =	rddreg [dreg:$0x0];
	s2 =	stileid.u32  }
0x108: {  	s1 =	rddreg [dreg:$0x1];
	p0 =	sne.s32 s2, $0x0  }
0x109: {  	s3 =	rddreg [dreg:$0x2];
	[bflag:$0x3] =	sbarrier.arrive $0xFFFF;
	s2 =	simm.s32 @!p0 $0x1C01  }
0x10a: {  	[timem:s3], [sflag:s2] =	dma.local @!p0 [hbm:s0], s1  }
0x10b: {  	s0 =	simm.s32 @!p0 $0x1  }
0x10c: {  	_ =	swait.ge @!p0 [sflag:s0], s1  }
0x10d: {  	s1 =	ssub.s32 @!p0 $0x0, s1;
	[sflag:s0] =	ssyncset.done @!p0 $0x0  }
0x10e: {  	[sflag:s0] =	ssyncadd.s32 @!p0 s1  }
0x10f: {  	[bflag:$0x3] =	sbarrier.arrive $0xFFFF  }
0x110: {  	_ =	shalt  }

</sc_bundles>
